<compile_context>
chip_gen: v7x
topology: tpu7x:2x2x1
jax: 0.10.2.dev20260603
libtpu: 0.0.44.dev20260713+nightly
codegen_flags: <defaults>
</compile_context>

<pallas_src>
import functools

import numpy as np
import jax
import jax.numpy as jnp
from jax import lax
from jax.experimental import pallas as pl
from jax.experimental.pallas import tpu as pltpu
from jax.experimental.pallas import tpu_sc as plsc

_M0 = 0.05
_BY = 0.0625
_LIM = 1.0

_B = 4
_M = 5000
_MP = 5008
_CH = _MP // 16
_N = 1089
_NP = 1104
_NG = _NP // 16
_TCHUNKS = _B * _NG
_NC = 2
_NS = 16
_NW = _NC * _NS
_MAXG = -(-_TCHUNKS // _NW)
_LEVELS = 3
_D2MAX = 8.0


def _make_grid_padded():
    ax = np.arange(-_LIM, _LIM + _BY, _BY, dtype=np.float32)
    g = np.stack(np.meshgrid(ax, ax, indexing="ij"), 0).transpose().reshape(-1, 2)
    assert g.shape[0] == _N
    pad = np.repeat(g[-1:], _NP - _N, axis=0)
    g = np.concatenate([g, pad], 0)
    return g[:, 0].copy(), g[:, 1].copy()


def _body(xs_v, ys_v, w_v, gx_v, gy_v, out_ref,
          xs_t, ys_t, w_t, gx_t, gy_t, d2_t, hw_t, ob_t):
    wid = lax.axis_index("s") * _NC + lax.axis_index("c")
    pltpu.sync_copy(xs_v, xs_t)
    pltpu.sync_copy(ys_v, ys_t)
    pltpu.sync_copy(w_v, w_t)
    pltpu.sync_copy(gx_v, gx_t)
    pltpu.sync_copy(gy_v, gy_t)

    lane = lax.iota(jnp.int32, 16)
    zz = jnp.zeros((16,), jnp.float32)
    for l in range(16):
        hw_t[l, pl.ds(0, 16)] = zz

    wbs = []
    for b in range(_B):
        def wsum(k, acc, b=b):
            return acc + w_t[pl.ds(b * _MP + k * 16, 16)]
        acc = lax.fori_loop(0, _CH, wsum, zz)
        wbs.append(jnp.float32(_M0) * jnp.sum(acc))

    def combine(lo, w_base, level, wbv, want_bin=False):
        totw = hw_t[0, pl.ds(0, 16)]
        hw_t[0, pl.ds(0, 16)] = zz
        for l in range(1, 16):
            totw = totw + hw_t[l, pl.ds(0, 16)]
            hw_t[l, pl.ds(0, 16)] = zz
        s = plsc.cumsum(totw)
        maskv = s < (wbv - w_base)
        cf = jnp.sum(jnp.where(maskv, jnp.float32(1.0), jnp.float32(0.0)))
        w_prev = jnp.max(jnp.where(maskv, s, jnp.float32(0.0)))
        width = jnp.float32(_D2MAX / 16.0 ** level)
        out = (lo + cf * width, w_base + w_prev)
        if not want_bin:
            return out
        binm = lane == cf.astype(jnp.int32)
        m_w = jnp.sum(jnp.where(binm, totw, jnp.float32(0.0)))
        return out + (m_w,)

    def group(t, _):
        c = wid + t * _NW

        @pl.when(c < _TCHUNKS)
        def _():
            b = ((c >= _NG).astype(jnp.int32)
                 + (c >= 2 * _NG).astype(jnp.int32)
                 + (c >= 3 * _NG).astype(jnp.int32))
            n0 = (c - b * _NG) * 16
            mbase = b * _MP
            wbv = jnp.where(
                b == 0, wbs[0],
                jnp.where(b == 1, wbs[1], jnp.where(b == 2, wbs[2], wbs[3])))

            gxg = gx_t[pl.ds(n0, 16)]
            gyg = gy_t[pl.ds(n0, 16)]

            def one_point(j, outvec):
                sel = lane == j
                gx = jnp.sum(jnp.where(sel, gxg, jnp.float32(0.0)))
                gy = jnp.sum(jnp.where(sel, gyg, jnp.float32(0.0)))

                inv1 = jnp.float32(16.0 / _D2MAX)

                @plsc.parallel_loop(0, _CH, unroll=8)
                def l1(k):
                    off = pl.ds(mbase + k * 16, 16)
                    xc = xs_t[off]
                    yc = ys_t[off]
                    wc = w_t[off]
                    dx = xc - gx
                    dy = yc - gy
                    d2 = dx * dx + dy * dy
                    d2_t[pl.ds(k * 16, 16)] = d2
                    bins = jnp.minimum((d2 * inv1).astype(jnp.int32), 15)
                    plsc.addupdate_scatter(hw_t, [lane, bins], wc)
                lo, w_base = combine(
                    jnp.float32(0.0), jnp.float32(0.0), 1, wbv)

                for level in range(2, _LEVELS + 1):
                    inv_w = jnp.float32(16.0 ** level / _D2MAX)

                    @plsc.parallel_loop(0, _CH, unroll=8)
                    def lx(k, inv_w=inv_w, lo=lo):
                        offm = pl.ds(mbase + k * 16, 16)
                        wc = w_t[offm]
                        d2 = d2_t[pl.ds(k * 16, 16)]
                        tt = (d2 - lo) * inv_w
                        bins = jnp.minimum(
                            jnp.maximum(tt.astype(jnp.int32), 0), 15)
                        valid = (tt >= 0.0) & (tt < 16.0)
                        wm = jnp.where(valid, wc, jnp.float32(0.0))
                        plsc.addupdate_scatter(hw_t, [lane, bins], wm)
                    res = combine(lo, w_base, level, wbv,
                                  want_bin=(level == _LEVELS))
                    lo, w_base = res[:2]

                width_l = jnp.float32(_D2MAX / 16.0 ** _LEVELS)
                hi_f = lo + width_l

                def cscan(k, carry):
                    accb, accm = carry
                    offm = pl.ds(mbase + k * 16, 16)
                    wc = w_t[offm]
                    d2 = d2_t[pl.ds(k * 16, 16)]
                    wd = wc * d2
                    below = d2 < lo
                    inbin = jnp.logical_and(d2 >= lo, d2 < hi_f)
                    accb = accb + jnp.where(below, wd, jnp.float32(0.0))
                    accm = accm + jnp.where(inbin, wd, jnp.float32(0.0))
                    return accb, accm

                accb, accm = lax.fori_loop(0, _CH, cscan, (zz, zz))
                c_base = jnp.sum(accb)
                m_c = jnp.sum(accm)

                m_w = res[2]
                need = jnp.maximum(wbv - w_base, jnp.float32(0.0))
                m_safe = jnp.maximum(m_w, jnp.float32(1e-20))
                rb = lax.bitcast_convert_type(m_safe, jnp.int32)
                rc = lax.bitcast_convert_type(
                    jnp.int32(0x7EF311C3) - rb, jnp.float32)
                for _u in range(3):
                    rc = rc * (jnp.float32(2.0) - m_safe * rc)
                frac = jnp.minimum(need * rc, jnp.float32(1.0))
                width_f = jnp.float32(_D2MAX / 16.0 ** _LEVELS)
                r2 = lo + frac * width_f
                vals = (wbv * r2 - r2 * (w_base + frac * m_w)
                        + (c_base + frac * m_c))
                return jnp.where(lane == j, vals, outvec)

            qv = lax.fori_loop(0, 16, one_point, zz)
            xv = qv * wbv
            iv = plsc.bitcast(xv, jnp.int32)
            y = plsc.bitcast(jnp.int32(0x5F3759DF) - (iv >> 1), jnp.float32)
            for _unused in range(3):
                y = y * (jnp.float32(1.5) - jnp.float32(0.5) * xv * y * y)
            ob_t[:] = qv * y
            pltpu.sync_copy(ob_t, out_ref.at[pl.ds(c * 16, 16)])

        return 0

    lax.fori_loop(0, _MAXG, group, 0)


@functools.cache
def _build():
    mesh = plsc.VectorSubcoreMesh(
        core_axis_name="c", subcore_axis_name="s",
        num_cores=_NC, num_subcores=_NS)
    return pl.kernel(
        _body,
        out_type=jax.ShapeDtypeStruct((_TCHUNKS * 16,), jnp.float32),
        mesh=mesh,
        compiler_params=pltpu.CompilerParams(needs_layout_passes=False),
        scratch_types=[
            pltpu.VMEM((_B * _MP,), jnp.float32),
            pltpu.VMEM((_B * _MP,), jnp.float32),
            pltpu.VMEM((_B * _MP,), jnp.float32),
            pltpu.VMEM((_NP,), jnp.float32),
            pltpu.VMEM((_NP,), jnp.float32),
            pltpu.VMEM((_MP,), jnp.float32),
            pltpu.VMEM((16, 17), jnp.float32),
            pltpu.VMEM((16,), jnp.float32),
        ],
    )


def kernel(inputs, weight):
    gx, gy = _make_grid_padded()
    xs = jnp.pad(inputs[:, :, 0], ((0, 0), (0, _MP - _M))).reshape(-1)
    ys = jnp.pad(inputs[:, :, 1], ((0, 0), (0, _MP - _M))).reshape(-1)
    w = jnp.pad(weight, ((0, 0), (0, _MP - _M))).reshape(-1)
    out = _build()(xs, ys, w, jnp.asarray(gx), jnp.asarray(gy))
    return out.reshape(_B, _NP)[:, :_N]

# --- scband reference (transcript-rebuilt; emitter-appended) ---
"""Pipeline reference for scband-dtmweight-layer-63531156242954 (READ-ONLY COPY).

The authoritative reference and input builder live on the scoring server;
editing this copy changes nothing except your own understanding.
"""

import jax, jax.numpy as jnp
import numpy as np

M0 = 0.05
R = 2.0
LIMS = [[-1.0, 1.0], [-1.0, 1.0]]
BY = 0.0625


def make_grid(lims, by):
    if np.ndim(by) == 0:
        by = np.repeat(by, repeats=len(lims))
    expansions = [np.arange(x, y + byd, byd, dtype=np.float32) for (x, y), byd in zip(lims, by)]
    grid = np.stack(np.meshgrid(*expansions, indexing='ij'), 0).transpose().reshape(-1, len(lims))
    return jnp.asarray(grid)


def knn(X, Y, k):
    # X: [..., M, d], Y: [N, d]; returns distance/index of shape [..., N, k]
    d = X.shape[-1]
    Xr = X.reshape(-1, d)
    XY = jnp.einsum('ik,jk->ij', Xr, Y)
    X2 = jnp.sum(jnp.square(Xr), 1, keepdims=True)
    Y2 = jnp.sum(jnp.square(Y), 1)[None, :]
    neg_dist = -jnp.sqrt(jnp.maximum(X2 + Y2 - 2.0 * XY, 0.0))
    neg_dist = neg_dist.reshape(X.shape[:-1] + (Y.shape[0],))  # [..., M, N]
    neg_dist = jnp.swapaxes(neg_dist, -1, -2)  # [..., N, M]
    distance, index = jax.lax.top_k(neg_dist, k)
    return -distance, index


def dtm_from_knn(knnDistance, knnIndex, weight, weightBound, maxIndex):
    # knnDistance/knnIndex: [B, N, k]; weight: [B, M]; weightBound: [B, 1]
    wb = weightBound[..., None]  # [B, 1, 1]
    B = weight.shape[0]
    weightTemp = weight[jnp.arange(B)[:, None, None], knnIndex]  # gather, batch_dims=1
    weightSumTemp = jnp.cumsum(weightTemp, -1)
    # tf.searchsorted(left): count of cumsum entries strictly less than bound
    index_int = jnp.sum(weightSumTemp < wb, axis=-1, keepdims=True)  # [B, N, 1]
    distanceTemp = jnp.square(knnDistance)  # r == 2.0 branch
    cumDistance = jnp.cumsum(distanceTemp * weightTemp, -1)
    vals = cumDistance + distanceTemp * (wb - weightSumTemp)
    idx = jnp.clip(index_int, 0, maxIndex - 1)
    dtmValue = jnp.take_along_axis(vals, idx, axis=-1)  # gather, batch_dims=2
    dtmValue = jnp.sqrt(dtmValue / wb)
    return jnp.squeeze(dtmValue, -1)  # [B, N]


def setup_inputs(seed: int = 0):
    key = jax.random.key(seed)
    k1, k2 = jax.random.split(key)
    inputs = jax.random.uniform(k1, (4, 5000, 2), dtype=jnp.float32)
    weight = jax.random.uniform(k2, (4, 5000), dtype=jnp.float32)
    return {"inputs": inputs, "weight": weight}


def reference(inputs, weight):
    grid = make_grid(LIMS, BY)  # [N, 2]
    weightsort = jnp.sort(weight, axis=-1)
    weightBound = M0 * jnp.sum(weight, -1, keepdims=True)  # [B, 1]
    weightSumTemp = jnp.cumsum(weightsort, -1)
    index0 = jnp.sum(weightSumTemp < weightBound, axis=-1)  # searchsorted, [B]
    max_index = jnp.max(index0) + 1
    k_static = inputs.shape[-2]
    knnDistance, knnIndex = knn(inputs, grid, k_static)
    return dtm_from_knn(knnDistance, knnIndex, weight, weightBound, max_index)

if __name__ == "__main__":
    import jax
    _d = setup_inputs()
    print(jax.jit(kernel)(*tuple(_d.values())))

</pallas_src>

<mosaic_0001>
#map = affine_map<(d0, d1) -> (0)>
module attributes {stable_mosaic.version = 14 : i64} {
  func.func @_body(%arg0: i32, %arg1: i32, %arg2: memref<20032xf32, #tpu.memory_space<hbm>>, %arg3: memref<20032xf32, #tpu.memory_space<hbm>>, %arg4: memref<20032xf32, #tpu.memory_space<hbm>>, %arg5: memref<1104xf32, #tpu.memory_space<hbm>>, %arg6: memref<1104xf32, #tpu.memory_space<hbm>>, %arg7: memref<4416xf32, #tpu.memory_space<hbm>>, %arg8: memref<20032xf32, #tpu.memory_space<vmem>>, %arg9: memref<20032xf32, #tpu.memory_space<vmem>>, %arg10: memref<20032xf32, #tpu.memory_space<vmem>>, %arg11: memref<1104xf32, #tpu.memory_space<vmem>>, %arg12: memref<1104xf32, #tpu.memory_space<vmem>>, %arg13: memref<5008xf32, #tpu.memory_space<vmem>>, %arg14: memref<16x17xf32, #tpu.memory_space<vmem>>, %arg15: memref<16xf32, #tpu.memory_space<vmem>>) attributes {dimension_semantics = [#tpu.dimension_semantics<core_parallel>, #tpu.dimension_semantics<subcore_parallel>], iteration_bounds = array<i64: 2, 16>, scalar_prefetch = 0 : i64, scratch_operands = 8 : i64, tpu.core_type = #tpu.core_type<sc_vector_subcore>, window_params = [{transform_indices = #map}, {transform_indices = #map}, {transform_indices = #map}, {transform_indices = #map}, {transform_indices = #map}, {transform_indices = #map}]} {
    %mul3A = arith.constant 2 : i32
    %mul3A_0 = arith.muli %arg1, %mul3A : i32
    %add3A = arith.addi %mul3A_0, %arg0 : i32
    "tpu.region"() ({
      %run_scoped3A = tpu.sem_alloc : memref<!tpu.dma_semaphore, #tpu.memory_space<semaphore_mem>>
      tpu.enqueue_dma source(%arg2 : memref<20032xf32, #tpu.memory_space<hbm>>) target(%arg8 : memref<20032xf32, #tpu.memory_space<vmem>>) target_semaphore(%run_scoped3A : memref<!tpu.dma_semaphore, #tpu.memory_space<semaphore_mem>>)
      tpu.wait_dma2 semaphore(%run_scoped3A : memref<!tpu.dma_semaphore, #tpu.memory_space<semaphore_mem>>) src(%arg2 : memref<20032xf32, #tpu.memory_space<hbm>>) dst(%arg8 : memref<20032xf32, #tpu.memory_space<vmem>>)
      tpu.yield
    }) : () -> ()
    "tpu.region"() ({
      %run_scoped3A = tpu.sem_alloc : memref<!tpu.dma_semaphore, #tpu.memory_space<semaphore_mem>>
      tpu.enqueue_dma source(%arg3 : memref<20032xf32, #tpu.memory_space<hbm>>) target(%arg9 : memref<20032xf32, #tpu.memory_space<vmem>>) target_semaphore(%run_scoped3A : memref<!tpu.dma_semaphore, #tpu.memory_space<semaphore_mem>>)
      tpu.wait_dma2 semaphore(%run_scoped3A : memref<!tpu.dma_semaphore, #tpu.memory_space<semaphore_mem>>) src(%arg3 : memref<20032xf32, #tpu.memory_space<hbm>>) dst(%arg9 : memref<20032xf32, #tpu.memory_space<vmem>>)
      tpu.yield
    }) : () -> ()
    "tpu.region"() ({
      %run_scoped3A = tpu.sem_alloc : memref<!tpu.dma_semaphore, #tpu.memory_space<semaphore_mem>>
      tpu.enqueue_dma source(%arg4 : memref<20032xf32, #tpu.memory_space<hbm>>) target(%arg10 : memref<20032xf32, #tpu.memory_space<vmem>>) target_semaphore(%run_scoped3A : memref<!tpu.dma_semaphore, #tpu.memory_space<semaphore_mem>>)
      tpu.wait_dma2 semaphore(%run_scoped3A : memref<!tpu.dma_semaphore, #tpu.memory_space<semaphore_mem>>) src(%arg4 : memref<20032xf32, #tpu.memory_space<hbm>>) dst(%arg10 : memref<20032xf32, #tpu.memory_space<vmem>>)
      tpu.yield
    }) : () -> ()
    "tpu.region"() ({
      %run_scoped3A = tpu.sem_alloc : memref<!tpu.dma_semaphore, #tpu.memory_space<semaphore_mem>>
      tpu.enqueue_dma source(%arg5 : memref<1104xf32, #tpu.memory_space<hbm>>) target(%arg11 : memref<1104xf32, #tpu.memory_space<vmem>>) target_semaphore(%run_scoped3A : memref<!tpu.dma_semaphore, #tpu.memory_space<semaphore_mem>>)
      tpu.wait_dma2 semaphore(%run_scoped3A : memref<!tpu.dma_semaphore, #tpu.memory_space<semaphore_mem>>) src(%arg5 : memref<1104xf32, #tpu.memory_space<hbm>>) dst(%arg11 : memref<1104xf32, #tpu.memory_space<vmem>>)
      tpu.yield
    }) : () -> ()
    "tpu.region"() ({
      %run_scoped3A = tpu.sem_alloc : memref<!tpu.dma_semaphore, #tpu.memory_space<semaphore_mem>>
      tpu.enqueue_dma source(%arg6 : memref<1104xf32, #tpu.memory_space<hbm>>) target(%arg12 : memref<1104xf32, #tpu.memory_space<vmem>>) target_semaphore(%run_scoped3A : memref<!tpu.dma_semaphore, #tpu.memory_space<semaphore_mem>>)
      tpu.wait_dma2 semaphore(%run_scoped3A : memref<!tpu.dma_semaphore, #tpu.memory_space<semaphore_mem>>) src(%arg6 : memref<1104xf32, #tpu.memory_space<hbm>>) dst(%arg12 : memref<1104xf32, #tpu.memory_space<vmem>>)
      tpu.yield
    }) : () -> ()
    %iota3A = tpu.iota {dimensions = array<i32: 0>} : vector<16xi32>
    %broadcast_in_dim3A = arith.constant 0.000000e+00 : f32
    %broadcast_in_dim3A_1 = vector.broadcast %broadcast_in_dim3A : f32 to vector<16xf32>
    %swap3A = arith.constant 0 : i32
    %swap3A_2 = arith.index_cast %swap3A : i32 to index
    %swap3A_3 = arith.constant 0 : index
    %swap3A_4 = tpu.vector_load %arg14[%swap3A_2, %swap3A_3] {strides = array<i32>} : memref<16x17xf32, #tpu.memory_space<vmem>>, vector<16xf32>,
    tpu.vector_store %arg14[%swap3A_2, %swap3A_3], %broadcast_in_dim3A_1 {strides = array<i32>} : memref<16x17xf32, #tpu.memory_space<vmem>>, vector<16xf32>,
    %swap3A_5 = arith.constant 1 : i32
    %swap3A_6 = arith.index_cast %swap3A_5 : i32 to index
    %swap3A_7 = arith.constant 0 : index
    %swap3A_8 = tpu.vector_load %arg14[%swap3A_6, %swap3A_7] {strides = array<i32>} : memref<16x17xf32, #tpu.memory_space<vmem>>, vector<16xf32>,
    tpu.vector_store %arg14[%swap3A_6, %swap3A_7], %broadcast_in_dim3A_1 {strides = array<i32>} : memref<16x17xf32, #tpu.memory_space<vmem>>, vector<16xf32>,
    %swap3A_9 = arith.constant 2 : i32
    %swap3A_10 = arith.index_cast %swap3A_9 : i32 to index
    %swap3A_11 = arith.constant 0 : index
    %swap3A_12 = tpu.vector_load %arg14[%swap3A_10, %swap3A_11] {strides = array<i32>} : memref<16x17xf32, #tpu.memory_space<vmem>>, vector<16xf32>,
    tpu.vector_store %arg14[%swap3A_10, %swap3A_11], %broadcast_in_dim3A_1 {strides = array<i32>} : memref<16x17xf32, #tpu.memory_space<vmem>>, vector<16xf32>,
    %swap3A_13 = arith.constant 3 : i32
    %swap3A_14 = arith.index_cast %swap3A_13 : i32 to index
    %swap3A_15 = arith.constant 0 : index
    %swap3A_16 = tpu.vector_load %arg14[%swap3A_14, %swap3A_15] {strides = array<i32>} : memref<16x17xf32, #tpu.memory_space<vmem>>, vector<16xf32>,
    tpu.vector_store %arg14[%swap3A_14, %swap3A_15], %broadcast_in_dim3A_1 {strides = array<i32>} : memref<16x17xf32, #tpu.memory_space<vmem>>, vector<16xf32>,
    %swap3A_17 = arith.constant 4 : i32
    %swap3A_18 = arith.index_cast %swap3A_17 : i32 to index
    %swap3A_19 = arith.constant 0 : index
    %swap3A_20 = tpu.vector_load %arg14[%swap3A_18, %swap3A_19] {strides = array<i32>} : memref<16x17xf32, #tpu.memory_space<vmem>>, vector<16xf32>,
    tpu.vector_store %arg14[%swap3A_18, %swap3A_19], %broadcast_in_dim3A_1 {strides = array<i32>} : memref<16x17xf32, #tpu.memory_space<vmem>>, vector<16xf32>,
    %swap3A_21 = arith.constant 5 : i32
    %swap3A_22 = arith.index_cast %swap3A_21 : i32 to index
    %swap3A_23 = arith.constant 0 : index
    %swap3A_24 = tpu.vector_load %arg14[%swap3A_22, %swap3A_23] {strides = array<i32>} : memref<16x17xf32, #tpu.memory_space<vmem>>, vector<16xf32>,
    tpu.vector_store %arg14[%swap3A_22, %swap3A_23], %broadcast_in_dim3A_1 {strides = array<i32>} : memref<16x17xf32, #tpu.memory_space<vmem>>, vector<16xf32>,
    %swap3A_25 = arith.constant 6 : i32
    %swap3A_26 = arith.index_cast %swap3A_25 : i32 to index
    %swap3A_27 = arith.constant 0 : index
    %swap3A_28 = tpu.vector_load %arg14[%swap3A_26, %swap3A_27] {strides = array<i32>} : memref<16x17xf32, #tpu.memory_space<vmem>>, vector<16xf32>,
    tpu.vector_store %arg14[%swap3A_26, %swap3A_27], %broadcast_in_dim3A_1 {strides = array<i32>} : memref<16x17xf32, #tpu.memory_space<vmem>>, vector<16xf32>,
    %swap3A_29 = arith.constant 7 : i32
    %swap3A_30 = arith.index_cast %swap3A_29 : i32 to index
    %swap3A_31 = arith.constant 0 : index
    %swap3A_32 = tpu.vector_load %arg14[%swap3A_30, %swap3A_31] {strides = array<i32>} : memref<16x17xf32, #tpu.memory_space<vmem>>, vector<16xf32>,
    tpu.vector_store %arg14[%swap3A_30, %swap3A_31], %broadcast_in_dim3A_1 {strides = array<i32>} : memref<16x17xf32, #tpu.memory_space<vmem>>, vector<16xf32>,
    %swap3A_33 = arith.constant 8 : i32
    %swap3A_34 = arith.index_cast %swap3A_33 : i32 to index
    %swap3A_35 = arith.constant 0 : index
    %swap3A_36 = tpu.vector_load %arg14[%swap3A_34, %swap3A_35] {strides = array<i32>} : memref<16x17xf32, #tpu.memory_space<vmem>>, vector<16xf32>,
    tpu.vector_store %arg14[%swap3A_34, %swap3A_35], %broadcast_in_dim3A_1 {strides = array<i32>} : memref<16x17xf32, #tpu.memory_space<vmem>>, vector<16xf32>,
    %swap3A_37 = arith.constant 9 : i32
    %swap3A_38 = arith.index_cast %swap3A_37 : i32 to index
    %swap3A_39 = arith.constant 0 : index
    %swap3A_40 = tpu.vector_load %arg14[%swap3A_38, %swap3A_39] {strides = array<i32>} : memref<16x17xf32, #tpu.memory_space<vmem>>, vector<16xf32>,
    tpu.vector_store %arg14[%swap3A_38, %swap3A_39], %broadcast_in_dim3A_1 {strides = array<i32>} : memref<16x17xf32, #tpu.memory_space<vmem>>, vector<16xf32>,
    %swap3A_41 = arith.constant 10 : i32
    %swap3A_42 = arith.index_cast %swap3A_41 : i32 to index
    %swap3A_43 = arith.constant 0 : index
    %swap3A_44 = tpu.vector_load %arg14[%swap3A_42, %swap3A_43] {strides = array<i32>} : memref<16x17xf32, #tpu.memory_space<vmem>>, vector<16xf32>,
    tpu.vector_store %arg14[%swap3A_42, %swap3A_43], %broadcast_in_dim3A_1 {strides = array<i32>} : memref<16x17xf32, #tpu.memory_space<vmem>>, vector<16xf32>,
    %swap3A_45 = arith.constant 11 : i32
    %swap3A_46 = arith.index_cast %swap3A_45 : i32 to index
    %swap3A_47 = arith.constant 0 : index
    %swap3A_48 = tpu.vector_load %arg14[%swap3A_46, %swap3A_47] {strides = array<i32>} : memref<16x17xf32, #tpu.memory_space<vmem>>, vector<16xf32>,
    tpu.vector_store %arg14[%swap3A_46, %swap3A_47], %broadcast_in_dim3A_1 {strides = array<i32>} : memref<16x17xf32, #tpu.memory_space<vmem>>, vector<16xf32>,
    %swap3A_49 = arith.constant 12 : i32
    %swap3A_50 = arith.index_cast %swap3A_49 : i32 to index
    %swap3A_51 = arith.constant 0 : index
    %swap3A_52 = tpu.vector_load %arg14[%swap3A_50, %swap3A_51] {strides = array<i32>} : memref<16x17xf32, #tpu.memory_space<vmem>>, vector<16xf32>,
    tpu.vector_store %arg14[%swap3A_50, %swap3A_51], %broadcast_in_dim3A_1 {strides = array<i32>} : memref<16x17xf32, #tpu.memory_space<vmem>>, vector<16xf32>,
    %swap3A_53 = arith.constant 13 : i32
    %swap3A_54 = arith.index_cast %swap3A_53 : i32 to index
    %swap3A_55 = arith.constant 0 : index
    %swap3A_56 = tpu.vector_load %arg14[%swap3A_54, %swap3A_55] {strides = array<i32>} : memref<16x17xf32, #tpu.memory_space<vmem>>, vector<16xf32>,
    tpu.vector_store %arg14[%swap3A_54, %swap3A_55], %broadcast_in_dim3A_1 {strides = array<i32>} : memref<16x17xf32, #tpu.memory_space<vmem>>, vector<16xf32>,
    %swap3A_57 = arith.constant 14 : i32
    %swap3A_58 = arith.index_cast %swap3A_57 : i32 to index
    %swap3A_59 = arith.constant 0 : index
    %swap3A_60 = tpu.vector_load %arg14[%swap3A_58, %swap3A_59] {strides = array<i32>} : memref<16x17xf32, #tpu.memory_space<vmem>>, vector<16xf32>,
    tpu.vector_store %arg14[%swap3A_58, %swap3A_59], %broadcast_in_dim3A_1 {strides = array<i32>} : memref<16x17xf32, #tpu.memory_space<vmem>>, vector<16xf32>,
    %swap3A_61 = arith.constant 15 : i32
    %swap3A_62 = arith.index_cast %swap3A_61 : i32 to index
    %swap3A_63 = arith.constant 0 : index
    %swap3A_64 = tpu.vector_load %arg14[%swap3A_62, %swap3A_63] {strides = array<i32>} : memref<16x17xf32, #tpu.memory_space<vmem>>, vector<16xf32>,
    tpu.vector_store %arg14[%swap3A_62, %swap3A_63], %broadcast_in_dim3A_1 {strides = array<i32>} : memref<16x17xf32, #tpu.memory_space<vmem>>, vector<16xf32>,
    %scan3A = arith.constant 0 : i32
    %scan3A_65 = arith.constant 313 : i32
    %scan3A_66 = arith.addi %scan3A, %scan3A_65 : i32
    %scan3A_67 = arith.constant 1 : i32
    %scan3A_68 = scf.for %scan3A_118 = %scan3A to %scan3A_66 step %scan3A_67 iter_args(%scan3A_119 = %broadcast_in_dim3A_1) -> (vector<16xf32>)  : i32 {
      %mul3A_120 = arith.constant 16 : i32
      %mul3A_121 = arith.muli %scan3A_118, %mul3A_120 : i32
      %add3A_122 = arith.constant 0 : i32
      %add3A_123 = arith.addi %add3A_122, %mul3A_121 : i32
      %get3A = arith.index_cast %add3A_123 : i32 to index
      %get3A_124 = tpu.vector_load %arg10[%get3A] {strides = array<i32>} : memref<20032xf32, #tpu.memory_space<vmem>>, vector<16xf32>,
      %add3A_125 = arith.addf %scan3A_119, %get3A_124 : vector<16xf32>
      scf.yield %add3A_125 : vector<16xf32>
    }
    %scan3A_69 = arith.constant 313 : i32
    %reduce_sum3A = arith.constant true
    %reduce_sum3A_70 = vector.broadcast %reduce_sum3A : i1 to vector<16xi1>
    %reduce_sum3A_71 = tpu.scan <sum>, %scan3A_68 masked %reduce_sum3A_70 : vector<16xf32>, vector<16xi1> -> vector<16xf32>
    %reduce_sum3A_72 = vector.extract %reduce_sum3A_71[15] : f32 from vector<16xf32>
    %mul3A_73 = arith.constant 5.000000e-02 : f32
    %mul3A_74 = arith.mulf %mul3A_73, %reduce_sum3A_72 : f32
    %scan3A_75 = arith.constant 0 : i32
    %scan3A_76 = arith.constant 313 : i32
    %scan3A_77 = arith.addi %scan3A_75, %scan3A_76 : i32
    %scan3A_78 = arith.constant 1 : i32
    %scan3A_79 = scf.for %scan3A_118 = %scan3A_75 to %scan3A_77 step %scan3A_78 iter_args(%scan3A_119 = %broadcast_in_dim3A_1) -> (vector<16xf32>)  : i32 {
      %mul3A_120 = arith.constant 16 : i32
      %mul3A_121 = arith.muli %scan3A_118, %mul3A_120 : i32
      %add3A_122 = arith.constant 5008 : i32
      %add3A_123 = arith.addi %add3A_122, %mul3A_121 : i32
      %get3A = arith.index_cast %add3A_123 : i32 to index
      %get3A_124 = tpu.vector_load %arg10[%get3A] {strides = array<i32>} : memref<20032xf32, #tpu.memory_space<vmem>>, vector<16xf32>,
      %add3A_125 = arith.addf %scan3A_119, %get3A_124 : vector<16xf32>
      scf.yield %add3A_125 : vector<16xf32>
    }
    %scan3A_80 = arith.constant 313 : i32
    %reduce_sum3A_81 = arith.constant true
    %reduce_sum3A_82 = vector.broadcast %reduce_sum3A_81 : i1 to vector<16xi1>
    %reduce_sum3A_83 = tpu.scan <sum>, %scan3A_79 masked %reduce_sum3A_82 : vector<16xf32>, vector<16xi1> -> vector<16xf32>
    %reduce_sum3A_84 = vector.extract %reduce_sum3A_83[15] : f32 from vector<16xf32>
    %mul3A_85 = arith.constant 5.000000e-02 : f32
    %mul3A_86 = arith.mulf %mul3A_85, %reduce_sum3A_84 : f32
    %scan3A_87 = arith.constant 0 : i32
    %scan3A_88 = arith.constant 313 : i32
    %scan3A_89 = arith.addi %scan3A_87, %scan3A_88 : i32
    %scan3A_90 = arith.constant 1 : i32
    %scan3A_91 = scf.for %scan3A_118 = %scan3A_87 to %scan3A_89 step %scan3A_90 iter_args(%scan3A_119 = %broadcast_in_dim3A_1) -> (vector<16xf32>)  : i32 {
      %mul3A_120 = arith.constant 16 : i32
      %mul3A_121 = arith.muli %scan3A_118, %mul3A_120 : i32
      %add3A_122 = arith.constant 10016 : i32
      %add3A_123 = arith.addi %add3A_122, %mul3A_121 : i32
      %get3A = arith.index_cast %add3A_123 : i32 to index
      %get3A_124 = tpu.vector_load %arg10[%get3A] {strides = array<i32>} : memref<20032xf32, #tpu.memory_space<vmem>>, vector<16xf32>,
      %add3A_125 = arith.addf %scan3A_119, %get3A_124 : vector<16xf32>
      scf.yield %add3A_125 : vector<16xf32>
    }
    %scan3A_92 = arith.constant 313 : i32
    %reduce_sum3A_93 = arith.constant true
    %reduce_sum3A_94 = vector.broadcast %reduce_sum3A_93 : i1 to vector<16xi1>
    %reduce_sum3A_95 = tpu.scan <sum>, %scan3A_91 masked %reduce_sum3A_94 : vector<16xf32>, vector<16xi1> -> vector<16xf32>
    %reduce_sum3A_96 = vector.extract %reduce_sum3A_95[15] : f32 from vector<16xf32>
    %mul3A_97 = arith.constant 5.000000e-02 : f32
    %mul3A_98 = arith.mulf %mul3A_97, %reduce_sum3A_96 : f32
    %scan3A_99 = arith.constant 0 : i32
    %scan3A_100 = arith.constant 313 : i32
    %scan3A_101 = arith.addi %scan3A_99, %scan3A_100 : i32
    %scan3A_102 = arith.constant 1 : i32
    %scan3A_103 = scf.for %scan3A_118 = %scan3A_99 to %scan3A_101 step %scan3A_102 iter_args(%scan3A_119 = %broadcast_in_dim3A_1) -> (vector<16xf32>)  : i32 {
      %mul3A_120 = arith.constant 16 : i32
      %mul3A_121 = arith.muli %scan3A_118, %mul3A_120 : i32
      %add3A_122 = arith.constant 15024 : i32
      %add3A_123 = arith.addi %add3A_122, %mul3A_121 : i32
      %get3A = arith.index_cast %add3A_123 : i32 to index
      %get3A_124 = tpu.vector_load %arg10[%get3A] {strides = array<i32>} : memref<20032xf32, #tpu.memory_space<vmem>>, vector<16xf32>,
      %add3A_125 = arith.addf %scan3A_119, %get3A_124 : vector<16xf32>
      scf.yield %add3A_125 : vector<16xf32>
    }
    %scan3A_104 = arith.constant 313 : i32
    %reduce_sum3A_105 = arith.constant true
    %reduce_sum3A_106 = vector.broadcast %reduce_sum3A_105 : i1 to vector<16xi1>
    %reduce_sum3A_107 = tpu.scan <sum>, %scan3A_103 masked %reduce_sum3A_106 : vector<16xf32>, vector<16xi1> -> vector<16xf32>
    %reduce_sum3A_108 = vector.extract %reduce_sum3A_107[15] : f32 from vector<16xf32>
    %mul3A_109 = arith.constant 5.000000e-02 : f32
    %mul3A_110 = arith.mulf %mul3A_109, %reduce_sum3A_108 : f32
    %scan3A_111 = arith.constant 0 : i32
    %scan3A_112 = arith.constant 0 : i32
    %scan3A_113 = arith.constant 9 : i32
    %scan3A_114 = arith.addi %scan3A_112, %scan3A_113 : i32
    %scan3A_115 = arith.constant 1 : i32
    %scan3A_116 = scf.for %scan3A_118 = %scan3A_112 to %scan3A_114 step %scan3A_115 iter_args(%scan3A_119 = %scan3A_111) -> (i32)  : i32 {
      %mul3A_120 = arith.constant 32 : i32
      %mul3A_121 = arith.muli %scan3A_118, %mul3A_120 : i32
      %add3A_122 = arith.addi %add3A, %mul3A_121 : i32
      %lt3A = arith.constant 276 : i32
      %lt3A_123 = arith.cmpi slt, %add3A_122, %lt3A : i32
      %convert_element_type3A = arith.extui %lt3A_123 : i1 to i32
      %cond3A = arith.constant 0 : i32
      %cond3A_124 = arith.cmpi ne, %convert_element_type3A, %cond3A : i32
      scf.if %cond3A_124 {
        %ge3A = arith.constant 69 : i32
        %ge3A_126 = arith.cmpi sge, %add3A_122, %ge3A : i32
        %convert_element_type3A_127 = arith.extui %ge3A_126 : i1 to i32
        %ge3A_128 = arith.constant 138 : i32
        %ge3A_129 = arith.cmpi sge, %add3A_122, %ge3A_128 : i32
        %convert_element_type3A_130 = arith.extui %ge3A_129 : i1 to i32
        %add3A_131 = arith.addi %convert_element_type3A_127, %convert_element_type3A_130 : i32
        %ge3A_132 = arith.constant 207 : i32
        %ge3A_133 = arith.cmpi sge, %add3A_122, %ge3A_132 : i32
        %convert_element_type3A_134 = arith.extui %ge3A_133 : i1 to i32
        %add3A_135 = arith.addi %add3A_131, %convert_element_type3A_134 : i32
        %mul3A_136 = arith.constant 69 : i32
        %mul3A_137 = arith.muli %add3A_135, %mul3A_136 : i32
        %sub3A = arith.subi %add3A_122, %mul3A_137 : i32
        %mul3A_138 = arith.constant 16 : i32
        %mul3A_139 = arith.muli %sub3A, %mul3A_138 : i32
        %mul3A_140 = arith.constant 5008 : i32
        %mul3A_141 = arith.muli %add3A_135, %mul3A_140 : i32
        %eq3A = arith.constant 0 : i32
        %eq3A_142 = arith.cmpi eq, %add3A_135, %eq3A : i32
        %eq3A_143 = arith.constant 1 : i32
        %eq3A_144 = arith.cmpi eq, %add3A_135, %eq3A_143 : i32
        %eq3A_145 = arith.constant 2 : i32
        %eq3A_146 = arith.cmpi eq, %add3A_135, %eq3A_145 : i32
        %select_n3A = arith.select %eq3A_146, %mul3A_98, %mul3A_110 : f32
        %select_n3A_147 = arith.select %eq3A_144, %mul3A_86, %select_n3A : f32
        %select_n3A_148 = arith.select %eq3A_142, %mul3A_74, %select_n3A_147 : f32
        %get3A = arith.index_cast %mul3A_139 : i32 to index
        %get3A_149 = tpu.vector_load %arg11[%get3A] {strides = array<i32>} : memref<1104xf32, #tpu.memory_space<vmem>>, vector<16xf32>,
        %get3A_150 = arith.index_cast %mul3A_139 : i32 to index
        %get3A_151 = tpu.vector_load %arg12[%get3A_150] {strides = array<i32>} : memref<1104xf32, #tpu.memory_space<vmem>>, vector<16xf32>,
        %scan3A_152 = arith.constant 0 : i32
        %scan3A_153 = arith.constant 16 : i32
        %scan3A_154 = arith.addi %scan3A_152, %scan3A_153 : i32
        %scan3A_155 = arith.constant 1 : i32
        %scan3A_156 = scf.for %scan3A_198 = %scan3A_152 to %scan3A_154 step %scan3A_155 iter_args(%scan3A_199 = %broadcast_in_dim3A_1) -> (vector<16xf32>)  : i32 {
          %eq3A_200 = vector.broadcast %scan3A_198 : i32 to vector<16xi32>
          %eq3A_201 = arith.cmpi eq, %iota3A, %eq3A_200 : vector<16xi32>
          %jit3A = arith.constant 0.000000e+00 : f32
          %broadcast_in_dim3A_202 = vector.broadcast %jit3A : f32 to vector<16xf32>
          %select_n3A_203 = arith.select %eq3A_201, %get3A_149, %broadcast_in_dim3A_202 : vector<16xi1>, vector<16xf32>
          %reduce_sum3A_204 = arith.constant true
          %reduce_sum3A_205 = vector.broadcast %reduce_sum3A_204 : i1 to vector<16xi1>
          %reduce_sum3A_206 = tpu.scan <sum>, %select_n3A_203 masked %reduce_sum3A_205 : vector<16xf32>, vector<16xi1> -> vector<16xf32>
          %reduce_sum3A_207 = vector.extract %reduce_sum3A_206[15] : f32 from vector<16xf32>
          %jit3A_208 = arith.constant 0.000000e+00 : f32
          %broadcast_in_dim3A_209 = vector.broadcast %jit3A_208 : f32 to vector<16xf32>
          %select_n3A_210 = arith.select %eq3A_201, %get3A_151, %broadcast_in_dim3A_209 : vector<16xi1>, vector<16xf32>
          %reduce_sum3A_211 = arith.constant true
          %reduce_sum3A_212 = vector.broadcast %reduce_sum3A_211 : i1 to vector<16xi1>
          %reduce_sum3A_213 = tpu.scan <sum>, %select_n3A_210 masked %reduce_sum3A_212 : vector<16xf32>, vector<16xi1> -> vector<16xf32>
          %reduce_sum3A_214 = vector.extract %reduce_sum3A_213[15] : f32 from vector<16xf32>
          %parallel_loop3A = arith.constant 0 : i32
          %parallel_loop3A_215 = arith.constant 313 : i32
          %parallel_loop3A_216 = arith.constant 1 : i32
          %parallel_loop3A_217 = arith.constant 2.000000e+00 : f32
          scf.for %parallel_loop3A_796 = %parallel_loop3A to %parallel_loop3A_215 step %parallel_loop3A_216  : i32 {
            %parallel_loop3A_797 = arith.constant 16 : i32
            %parallel_loop3A_798 = arith.muli %parallel_loop3A_796, %parallel_loop3A_797 : i32
            %parallel_loop3A_799 = arith.addi %mul3A_141, %parallel_loop3A_798 : i32
            %parallel_loop3A_800 = arith.index_cast %parallel_loop3A_799 : i32 to index
            %parallel_loop3A_801 = tpu.vector_load %arg8[%parallel_loop3A_800] {strides = array<i32>} : memref<20032xf32, #tpu.memory_space<vmem>>, vector<16xf32>,
            %parallel_loop3A_802 = arith.index_cast %parallel_loop3A_799 : i32 to index
            %parallel_loop3A_803 = tpu.vector_load %arg9[%parallel_loop3A_802] {strides = array<i32>} : memref<20032xf32, #tpu.memory_space<vmem>>, vector<16xf32>,
            %parallel_loop3A_804 = arith.index_cast %parallel_loop3A_799 : i32 to index
            %parallel_loop3A_805 = tpu.vector_load %arg10[%parallel_loop3A_804] {strides = array<i32>} : memref<20032xf32, #tpu.memory_space<vmem>>, vector<16xf32>,
            %parallel_loop3A_806 = vector.broadcast %reduce_sum3A_207 : f32 to vector<16xf32>
            %parallel_loop3A_807 = arith.subf %parallel_loop3A_801, %parallel_loop3A_806 : vector<16xf32>
            %parallel_loop3A_808 = vector.broadcast %reduce_sum3A_214 : f32 to vector<16xf32>
            %parallel_loop3A_809 = arith.subf %parallel_loop3A_803, %parallel_loop3A_808 : vector<16xf32>
            %parallel_loop3A_810 = arith.mulf %parallel_loop3A_807, %parallel_loop3A_807 : vector<16xf32>
            %parallel_loop3A_811 = arith.mulf %parallel_loop3A_809, %parallel_loop3A_809 : vector<16xf32>
            %parallel_loop3A_812 = arith.addf %parallel_loop3A_810, %parallel_loop3A_811 : vector<16xf32>
            %parallel_loop3A_813 = arith.constant 16 : i32
            %parallel_loop3A_814 = arith.muli %parallel_loop3A_796, %parallel_loop3A_813 : i32
            %parallel_loop3A_815 = arith.index_cast %parallel_loop3A_814 : i32 to index
            %parallel_loop3A_816 = tpu.vector_load %arg13[%parallel_loop3A_815] {strides = array<i32>} : memref<5008xf32, #tpu.memory_space<vmem>>, vector<16xf32>,
            tpu.vector_store %arg13[%parallel_loop3A_815], %parallel_loop3A_812 {strides = array<i32>} : memref<5008xf32, #tpu.memory_space<vmem>>, vector<16xf32>,
            %parallel_loop3A_817 = vector.broadcast %parallel_loop3A_217 : f32 to vector<16xf32>
            %parallel_loop3A_818 = arith.mulf %parallel_loop3A_812, %parallel_loop3A_817 : vector<16xf32>
            %parallel_loop3A_819 = arith.fptosi %parallel_loop3A_818 : vector<16xf32> to vector<16xi32>
            %parallel_loop3A_820 = arith.constant 15 : i32
            %parallel_loop3A_821 = vector.broadcast %parallel_loop3A_820 : i32 to vector<16xi32>
            %parallel_loop3A_822 = arith.minsi %parallel_loop3A_819, %parallel_loop3A_821 : vector<16xi32>
            tpu.vector_store_idx %arg14[%iota3A, %parallel_loop3A_822], %parallel_loop3A_805 {add = true} : memref<16x17xf32, #tpu.memory_space<vmem>>[vector<16xi32>, vector<16xi32>], vector<16xf32>,
          } {sc.loop_unroll_factor = 8 : i64, sc.parallel_access}
          %get3A_218 = arith.constant 0 : i32
          %get3A_219 = arith.index_cast %get3A_218 : i32 to index
          %get3A_220 = arith.constant 0 : index
          %get3A_221 = tpu.vector_load %arg14[%get3A_219, %get3A_220] {strides = array<i32>} : memref<16x17xf32, #tpu.memory_space<vmem>>, vector<16xf32>,
          %swap3A_222 = arith.constant 0 : i32
          %swap3A_223 = arith.index_cast %swap3A_222 : i32 to index
          %swap3A_224 = arith.constant 0 : index
          %swap3A_225 = tpu.vector_load %arg14[%swap3A_223, %swap3A_224] {strides = array<i32>} : memref<16x17xf32, #tpu.memory_space<vmem>>, vector<16xf32>,
          tpu.vector_store %arg14[%swap3A_223, %swap3A_224], %broadcast_in_dim3A_1 {strides = array<i32>} : memref<16x17xf32, #tpu.memory_space<vmem>>, vector<16xf32>,
          %get3A_226 = arith.constant 1 : i32
          %get3A_227 = arith.index_cast %get3A_226 : i32 to index
          %get3A_228 = arith.constant 0 : index
          %get3A_229 = tpu.vector_load %arg14[%get3A_227, %get3A_228] {strides = array<i32>} : memref<16x17xf32, #tpu.memory_space<vmem>>, vector<16xf32>,
          %add3A_230 = arith.addf %get3A_221, %get3A_229 : vector<16xf32>
          %swap3A_231 = arith.constant 1 : i32
          %swap3A_232 = arith.index_cast %swap3A_231 : i32 to index
          %swap3A_233 = arith.constant 0 : index
          %swap3A_234 = tpu.vector_load %arg14[%swap3A_232, %swap3A_233] {strides = array<i32>} : memref<16x17xf32, #tpu.memory_space<vmem>>, vector<16xf32>,
          tpu.vector_store %arg14[%swap3A_232, %swap3A_233], %broadcast_in_dim3A_1 {strides = array<i32>} : memref<16x17xf32, #tpu.memory_space<vmem>>, vector<16xf32>,
          %get3A_235 = arith.constant 2 : i32
          %get3A_236 = arith.index_cast %get3A_235 : i32 to index
          %get3A_237 = arith.constant 0 : index
          %get3A_238 = tpu.vector_load %arg14[%get3A_236, %get3A_237] {strides = array<i32>} : memref<16x17xf32, #tpu.memory_space<vmem>>, vector<16xf32>,
          %add3A_239 = arith.addf %add3A_230, %get3A_238 : vector<16xf32>
          %swap3A_240 = arith.constant 2 : i32
          %swap3A_241 = arith.index_cast %swap3A_240 : i32 to index
          %swap3A_242 = arith.constant 0 : index
          %swap3A_243 = tpu.vector_load %arg14[%swap3A_241, %swap3A_242] {strides = array<i32>} : memref<16x17xf32, #tpu.memory_space<vmem>>, vector<16xf32>,
          tpu.vector_store %arg14[%swap3A_241, %swap3A_242], %broadcast_in_dim3A_1 {strides = array<i32>} : memref<16x17xf32, #tpu.memory_space<vmem>>, vector<16xf32>,
          %get3A_244 = arith.constant 3 : i32
          %get3A_245 = arith.index_cast %get3A_244 : i32 to index
          %get3A_246 = arith.constant 0 : index
          %get3A_247 = tpu.vector_load %arg14[%get3A_245, %get3A_246] {strides = array<i32>} : memref<16x17xf32, #tpu.memory_space<vmem>>, vector<16xf32>,
          %add3A_248 = arith.addf %add3A_239, %get3A_247 : vector<16xf32>
          %swap3A_249 = arith.constant 3 : i32
          %swap3A_250 = arith.index_cast %swap3A_249 : i32 to index
          %swap3A_251 = arith.constant 0 : index
          %swap3A_252 = tpu.vector_load %arg14[%swap3A_250, %swap3A_251] {strides = array<i32>} : memref<16x17xf32, #tpu.memory_space<vmem>>, vector<16xf32>,
          tpu.vector_store %arg14[%swap3A_250, %swap3A_251], %broadcast_in_dim3A_1 {strides = array<i32>} : memref<16x17xf32, #tpu.memory_space<vmem>>, vector<16xf32>,
          %get3A_253 = arith.constant 4 : i32
          %get3A_254 = arith.index_cast %get3A_253 : i32 to index
          %get3A_255 = arith.constant 0 : index
          %get3A_256 = tpu.vector_load %arg14[%get3A_254, %get3A_255] {strides = array<i32>} : memref<16x17xf32, #tpu.memory_space<vmem>>, vector<16xf32>,
          %add3A_257 = arith.addf %add3A_248, %get3A_256 : vector<16xf32>
          %swap3A_258 = arith.constant 4 : i32
          %swap3A_259 = arith.index_cast %swap3A_258 : i32 to index
          %swap3A_260 = arith.constant 0 : index
          %swap3A_261 = tpu.vector_load %arg14[%swap3A_259, %swap3A_260] {strides = array<i32>} : memref<16x17xf32, #tpu.memory_space<vmem>>, vector<16xf32>,
          tpu.vector_store %arg14[%swap3A_259, %swap3A_260], %broadcast_in_dim3A_1 {strides = array<i32>} : memref<16x17xf32, #tpu.memory_space<vmem>>, vector<16xf32>,
          %get3A_262 = arith.constant 5 : i32
          %get3A_263 = arith.index_cast %get3A_262 : i32 to index
          %get3A_264 = arith.constant 0 : index
          %get3A_265 = tpu.vector_load %arg14[%get3A_263, %get3A_264] {strides = array<i32>} : memref<16x17xf32, #tpu.memory_space<vmem>>, vector<16xf32>,
          %add3A_266 = arith.addf %add3A_257, %get3A_265 : vector<16xf32>
          %swap3A_267 = arith.constant 5 : i32
          %swap3A_268 = arith.index_cast %swap3A_267 : i32 to index
          %swap3A_269 = arith.constant 0 : index
          %swap3A_270 = tpu.vector_load %arg14[%swap3A_268, %swap3A_269] {strides = array<i32>} : memref<16x17xf32, #tpu.memory_space<vmem>>, vector<16xf32>,
          tpu.vector_store %arg14[%swap3A_268, %swap3A_269], %broadcast_in_dim3A_1 {strides = array<i32>} : memref<16x17xf32, #tpu.memory_space<vmem>>, vector<16xf32>,
          %get3A_271 = arith.constant 6 : i32
          %get3A_272 = arith.index_cast %get3A_271 : i32 to index
          %get3A_273 = arith.constant 0 : index
          %get3A_274 = tpu.vector_load %arg14[%get3A_272, %get3A_273] {strides = array<i32>} : memref<16x17xf32, #tpu.memory_space<vmem>>, vector<16xf32>,
          %add3A_275 = arith.addf %add3A_266, %get3A_274 : vector<16xf32>
          %swap3A_276 = arith.constant 6 : i32
          %swap3A_277 = arith.index_cast %swap3A_276 : i32 to index
          %swap3A_278 = arith.constant 0 : index
          %swap3A_279 = tpu.vector_load %arg14[%swap3A_277, %swap3A_278] {strides = array<i32>} : memref<16x17xf32, #tpu.memory_space<vmem>>, vector<16xf32>,
          tpu.vector_store %arg14[%swap3A_277, %swap3A_278], %broadcast_in_dim3A_1 {strides = array<i32>} : memref<16x17xf32, #tpu.memory_space<vmem>>, vector<16xf32>,
          %get3A_280 = arith.constant 7 : i32
          %get3A_281 = arith.index_cast %get3A_280 : i32 to index
          %get3A_282 = arith.constant 0 : index
          %get3A_283 = tpu.vector_load %arg14[%get3A_281, %get3A_282] {strides = array<i32>} : memref<16x17xf32, #tpu.memory_space<vmem>>, vector<16xf32>,
          %add3A_284 = arith.addf %add3A_275, %get3A_283 : vector<16xf32>
          %swap3A_285 = arith.constant 7 : i32
          %swap3A_286 = arith.index_cast %swap3A_285 : i32 to index
          %swap3A_287 = arith.constant 0 : index
          %swap3A_288 = tpu.vector_load %arg14[%swap3A_286, %swap3A_287] {strides = array<i32>} : memref<16x17xf32, #tpu.memory_space<vmem>>, vector<16xf32>,
          tpu.vector_store %arg14[%swap3A_286, %swap3A_287], %broadcast_in_dim3A_1 {strides = array<i32>} : memref<16x17xf32, #tpu.memory_space<vmem>>, vector<16xf32>,
          %get3A_289 = arith.constant 8 : i32
          %get3A_290 = arith.index_cast %get3A_289 : i32 to index
          %get3A_291 = arith.constant 0 : index
          %get3A_292 = tpu.vector_load %arg14[%get3A_290, %get3A_291] {strides = array<i32>} : memref<16x17xf32, #tpu.memory_space<vmem>>, vector<16xf32>,
          %add3A_293 = arith.addf %add3A_284, %get3A_292 : vector<16xf32>
          %swap3A_294 = arith.constant 8 : i32
          %swap3A_295 = arith.index_cast %swap3A_294 : i32 to index
          %swap3A_296 = arith.constant 0 : index
          %swap3A_297 = tpu.vector_load %arg14[%swap3A_295, %swap3A_296] {strides = array<i32>} : memref<16x17xf32, #tpu.memory_space<vmem>>, vector<16xf32>,
          tpu.vector_store %arg14[%swap3A_295, %swap3A_296], %broadcast_in_dim3A_1 {strides = array<i32>} : memref<16x17xf32, #tpu.memory_space<vmem>>, vector<16xf32>,
          %get3A_298 = arith.constant 9 : i32
          %get3A_299 = arith.index_cast %get3A_298 : i32 to index
          %get3A_300 = arith.constant 0 : index
          %get3A_301 = tpu.vector_load %arg14[%get3A_299, %get3A_300] {strides = array<i32>} : memref<16x17xf32, #tpu.memory_space<vmem>>, vector<16xf32>,
          %add3A_302 = arith.addf %add3A_293, %get3A_301 : vector<16xf32>
          %swap3A_303 = arith.constant 9 : i32
          %swap3A_304 = arith.index_cast %swap3A_303 : i32 to index
          %swap3A_305 = arith.constant 0 : index
          %swap3A_306 = tpu.vector_load %arg14[%swap3A_304, %swap3A_305] {strides = array<i32>} : memref<16x17xf32, #tpu.memory_space<vmem>>, vector<16xf32>,
          tpu.vector_store %arg14[%swap3A_304, %swap3A_305], %broadcast_in_dim3A_1 {strides = array<i32>} : memref<16x17xf32, #tpu.memory_space<vmem>>, vector<16xf32>,
          %get3A_307 = arith.constant 10 : i32
          %get3A_308 = arith.index_cast %get3A_307 : i32 to index
          %get3A_309 = arith.constant 0 : index
          %get3A_310 = tpu.vector_load %arg14[%get3A_308, %get3A_309] {strides = array<i32>} : memref<16x17xf32, #tpu.memory_space<vmem>>, vector<16xf32>,
          %add3A_311 = arith.addf %add3A_302, %get3A_310 : vector<16xf32>
          %swap3A_312 = arith.constant 10 : i32
          %swap3A_313 = arith.index_cast %swap3A_312 : i32 to index
          %swap3A_314 = arith.constant 0 : index
          %swap3A_315 = tpu.vector_load %arg14[%swap3A_313, %swap3A_314] {strides = array<i32>} : memref<16x17xf32, #tpu.memory_space<vmem>>, vector<16xf32>,
          tpu.vector_store %arg14[%swap3A_313, %swap3A_314], %broadcast_in_dim3A_1 {strides = array<i32>} : memref<16x17xf32, #tpu.memory_space<vmem>>, vector<16xf32>,
          %get3A_316 = arith.constant 11 : i32
          %get3A_317 = arith.index_cast %get3A_316 : i32 to index
          %get3A_318 = arith.constant 0 : index
          %get3A_319 = tpu.vector_load %arg14[%get3A_317, %get3A_318] {strides = array<i32>} : memref<16x17xf32, #tpu.memory_space<vmem>>, vector<16xf32>,
          %add3A_320 = arith.addf %add3A_311, %get3A_319 : vector<16xf32>
          %swap3A_321 = arith.constant 11 : i32
          %swap3A_322 = arith.index_cast %swap3A_321 : i32 to index
          %swap3A_323 = arith.constant 0 : index
          %swap3A_324 = tpu.vector_load %arg14[%swap3A_322, %swap3A_323] {strides = array<i32>} : memref<16x17xf32, #tpu.memory_space<vmem>>, vector<16xf32>,
          tpu.vector_store %arg14[%swap3A_322, %swap3A_323], %broadcast_in_dim3A_1 {strides = array<i32>} : memref<16x17xf32, #tpu.memory_space<vmem>>, vector<16xf32>,
          %get3A_325 = arith.constant 12 : i32
          %get3A_326 = arith.index_cast %get3A_325 : i32 to index
          %get3A_327 = arith.constant 0 : index
          %get3A_328 = tpu.vector_load %arg14[%get3A_326, %get3A_327] {strides = array<i32>} : memref<16x17xf32, #tpu.memory_space<vmem>>, vector<16xf32>,
          %add3A_329 = arith.addf %add3A_320, %get3A_328 : vector<16xf32>
          %swap3A_330 = arith.constant 12 : i32
          %swap3A_331 = arith.index_cast %swap3A_330 : i32 to index
          %swap3A_332 = arith.constant 0 : index
          %swap3A_333 = tpu.vector_load %arg14[%swap3A_331, %swap3A_332] {strides = array<i32>} : memref<16x17xf32, #tpu.memory_space<vmem>>, vector<16xf32>,
          tpu.vector_store %arg14[%swap3A_331, %swap3A_332], %broadcast_in_dim3A_1 {strides = array<i32>} : memref<16x17xf32, #tpu.memory_space<vmem>>, vector<16xf32>,
          %get3A_334 = arith.constant 13 : i32
          %get3A_335 = arith.index_cast %get3A_334 : i32 to index
          %get3A_336 = arith.constant 0 : index
          %get3A_337 = tpu.vector_load %arg14[%get3A_335, %get3A_336] {strides = array<i32>} : memref<16x17xf32, #tpu.memory_space<vmem>>, vector<16xf32>,
          %add3A_338 = arith.addf %add3A_329, %get3A_337 : vector<16xf32>
          %swap3A_339 = arith.constant 13 : i32
          %swap3A_340 = arith.index_cast %swap3A_339 : i32 to index
          %swap3A_341 = arith.constant 0 : index
          %swap3A_342 = tpu.vector_load %arg14[%swap3A_340, %swap3A_341] {strides = array<i32>} : memref<16x17xf32, #tpu.memory_space<vmem>>, vector<16xf32>,
          tpu.vector_store %arg14[%swap3A_340, %swap3A_341], %broadcast_in_dim3A_1 {strides = array<i32>} : memref<16x17xf32, #tpu.memory_space<vmem>>, vector<16xf32>,
          %get3A_343 = arith.constant 14 : i32
          %get3A_344 = arith.index_cast %get3A_343 : i32 to index
          %get3A_345 = arith.constant 0 : index
          %get3A_346 = tpu.vector_load %arg14[%get3A_344, %get3A_345] {strides = array<i32>} : memref<16x17xf32, #tpu.memory_space<vmem>>, vector<16xf32>,
          %add3A_347 = arith.addf %add3A_338, %get3A_346 : vector<16xf32>
          %swap3A_348 = arith.constant 14 : i32
          %swap3A_349 = arith.index_cast %swap3A_348 : i32 to index
          %swap3A_350 = arith.constant 0 : index
          %swap3A_351 = tpu.vector_load %arg14[%swap3A_349, %swap3A_350] {strides = array<i32>} : memref<16x17xf32, #tpu.memory_space<vmem>>, vector<16xf32>,
          tpu.vector_store %arg14[%swap3A_349, %swap3A_350], %broadcast_in_dim3A_1 {strides = array<i32>} : memref<16x17xf32, #tpu.memory_space<vmem>>, vector<16xf32>,
          %get3A_352 = arith.constant 15 : i32
          %get3A_353 = arith.index_cast %get3A_352 : i32 to index
          %get3A_354 = arith.constant 0 : index
          %get3A_355 = tpu.vector_load %arg14[%get3A_353, %get3A_354] {strides = array<i32>} : memref<16x17xf32, #tpu.memory_space<vmem>>, vector<16xf32>,
          %add3A_356 = arith.addf %add3A_347, %get3A_355 : vector<16xf32>
          %swap3A_357 = arith.constant 15 : i32
          %swap3A_358 = arith.index_cast %swap3A_357 : i32 to index
          %swap3A_359 = arith.constant 0 : index
          %swap3A_360 = tpu.vector_load %arg14[%swap3A_358, %swap3A_359] {strides = array<i32>} : memref<16x17xf32, #tpu.memory_space<vmem>>, vector<16xf32>,
          tpu.vector_store %arg14[%swap3A_358, %swap3A_359], %broadcast_in_dim3A_1 {strides = array<i32>} : memref<16x17xf32, #tpu.memory_space<vmem>>, vector<16xf32>,
          %broadcast_in_dim3A_361 = arith.constant true
          %broadcast_in_dim3A_362 = vector.broadcast %broadcast_in_dim3A_361 : i1 to vector<16xi1>
          %masked_cumsum3A = tpu.scan <sum>, %add3A_356 masked %broadcast_in_dim3A_362 : vector<16xf32>, vector<16xi1> -> vector<16xf32>
          %sub3A_363 = arith.constant 0.000000e+00 : f32
          %sub3A_364 = arith.subf %select_n3A_148, %sub3A_363 : f32
          %lt3A_365 = vector.broadcast %sub3A_364 : f32 to vector<16xf32>
          %lt3A_366 = arith.cmpf olt, %masked_cumsum3A, %lt3A_365 : vector<16xf32>
          %jit3A_367 = arith.constant 1.000000e+00 : f32
          %jit3A_368 = arith.constant 0.000000e+00 : f32
          %broadcast_in_dim3A_369 = vector.broadcast %jit3A_367 : f32 to vector<16xf32>
          %broadcast_in_dim3A_370 = vector.broadcast %jit3A_368 : f32 to vector<16xf32>
          %select_n3A_371 = arith.select %lt3A_366, %broadcast_in_dim3A_369, %broadcast_in_dim3A_370 : vector<16xi1>, vector<16xf32>
          %reduce_sum3A_372 = arith.constant true
          %reduce_sum3A_373 = vector.broadcast %reduce_sum3A_372 : i1 to vector<16xi1>
          %reduce_sum3A_374 = tpu.scan <sum>, %select_n3A_371 masked %reduce_sum3A_373 : vector<16xf32>, vector<16xi1> -> vector<16xf32>
          %reduce_sum3A_375 = vector.extract %reduce_sum3A_374[15] : f32 from vector<16xf32>
          %jit3A_376 = arith.constant 0.000000e+00 : f32
          %broadcast_in_dim3A_377 = vector.broadcast %jit3A_376 : f32 to vector<16xf32>
          %select_n3A_378 = arith.select %lt3A_366, %masked_cumsum3A, %broadcast_in_dim3A_377 : vector<16xi1>, vector<16xf32>
          %reduce_max3A = arith.constant true
          %reduce_max3A_379 = vector.broadcast %reduce_max3A : i1 to vector<16xi1>
          %reduce_max3A_380 = tpu.scan <max>, %select_n3A_378 masked %reduce_max3A_379 : vector<16xf32>, vector<16xi1> -> vector<16xf32>
          %reduce_max3A_381 = vector.extract %reduce_max3A_380[15] : f32 from vector<16xf32>
          %mul3A_382 = arith.constant 5.000000e-01 : f32
          %mul3A_383 = arith.mulf %reduce_sum3A_375, %mul3A_382 : f32
          %add3A_384 = arith.constant 0.000000e+00 : f32
          %add3A_385 = arith.addf %add3A_384, %mul3A_383 : f32
          %add3A_386 = arith.constant 0.000000e+00 : f32
          %add3A_387 = arith.addf %add3A_386, %reduce_max3A_381 : f32
          %parallel_loop3A_388 = arith.constant 0 : i32
          %parallel_loop3A_389 = arith.constant 313 : i32
          %parallel_loop3A_390 = arith.constant 1 : i32
          %parallel_loop3A_391 = arith.constant 3.200000e+01 : f32
          scf.for %parallel_loop3A_796 = %parallel_loop3A_388 to %parallel_loop3A_389 step %parallel_loop3A_390  : i32 {
            %parallel_loop3A_797 = arith.constant 16 : i32
            %parallel_loop3A_798 = arith.muli %parallel_loop3A_796, %parallel_loop3A_797 : i32
            %parallel_loop3A_799 = arith.addi %mul3A_141, %parallel_loop3A_798 : i32
            %parallel_loop3A_800 = arith.index_cast %parallel_loop3A_799 : i32 to index
            %parallel_loop3A_801 = tpu.vector_load %arg10[%parallel_loop3A_800] {strides = array<i32>} : memref<20032xf32, #tpu.memory_space<vmem>>, vector<16xf32>,
            %parallel_loop3A_802 = arith.constant 16 : i32
            %parallel_loop3A_803 = arith.muli %parallel_loop3A_796, %parallel_loop3A_802 : i32
            %parallel_loop3A_804 = arith.index_cast %parallel_loop3A_803 : i32 to index
            %parallel_loop3A_805 = tpu.vector_load %arg13[%parallel_loop3A_804] {strides = array<i32>} : memref<5008xf32, #tpu.memory_space<vmem>>, vector<16xf32>,
            %parallel_loop3A_806 = vector.broadcast %add3A_385 : f32 to vector<16xf32>
            %parallel_loop3A_807 = arith.subf %parallel_loop3A_805, %parallel_loop3A_806 : vector<16xf32>
            %parallel_loop3A_808 = vector.broadcast %parallel_loop3A_391 : f32 to vector<16xf32>
            %parallel_loop3A_809 = arith.mulf %parallel_loop3A_807, %parallel_loop3A_808 : vector<16xf32>
            %parallel_loop3A_810 = arith.fptosi %parallel_loop3A_809 : vector<16xf32> to vector<16xi32>
            %parallel_loop3A_811 = arith.constant 0 : i32
            %parallel_loop3A_812 = vector.broadcast %parallel_loop3A_811 : i32 to vector<16xi32>
            %parallel_loop3A_813 = arith.maxsi %parallel_loop3A_810, %parallel_loop3A_812 : vector<16xi32>
            %parallel_loop3A_814 = arith.constant 15 : i32
            %parallel_loop3A_815 = vector.broadcast %parallel_loop3A_814 : i32 to vector<16xi32>
            %parallel_loop3A_816 = arith.minsi %parallel_loop3A_813, %parallel_loop3A_815 : vector<16xi32>
            %parallel_loop3A_817 = arith.constant 0.000000e+00 : f32
            %parallel_loop3A_818 = vector.broadcast %parallel_loop3A_817 : f32 to vector<16xf32>
            %parallel_loop3A_819 = arith.cmpf oge, %parallel_loop3A_809, %parallel_loop3A_818 : vector<16xf32>
            %parallel_loop3A_820 = arith.constant 1.600000e+01 : f32
            %parallel_loop3A_821 = vector.broadcast %parallel_loop3A_820 : f32 to vector<16xf32>
            %parallel_loop3A_822 = arith.cmpf olt, %parallel_loop3A_809, %parallel_loop3A_821 : vector<16xf32>
            %parallel_loop3A_823 = arith.andi %parallel_loop3A_819, %parallel_loop3A_822 : vector<16xi1>
            %parallel_loop3A_824 = arith.constant 0.000000e+00 : f32
            %parallel_loop3A_825 = vector.broadcast %parallel_loop3A_824 : f32 to vector<16xf32>
            %parallel_loop3A_826 = arith.select %parallel_loop3A_823, %parallel_loop3A_801, %parallel_loop3A_825 : vector<16xi1>, vector<16xf32>
            tpu.vector_store_idx %arg14[%iota3A, %parallel_loop3A_816], %parallel_loop3A_826 {add = true} : memref<16x17xf32, #tpu.memory_space<vmem>>[vector<16xi32>, vector<16xi32>], vector<16xf32>,
          } {sc.loop_unroll_factor = 8 : i64, sc.parallel_access}
          %get3A_392 = arith.constant 0 : i32
          %get3A_393 = arith.index_cast %get3A_392 : i32 to index
          %get3A_394 = arith.constant 0 : index
          %get3A_395 = tpu.vector_load %arg14[%get3A_393, %get3A_394] {strides = array<i32>} : memref<16x17xf32, #tpu.memory_space<vmem>>, vector<16xf32>,
          %swap3A_396 = arith.constant 0 : i32
          %swap3A_397 = arith.index_cast %swap3A_396 : i32 to index
          %swap3A_398 = arith.constant 0 : index
          %swap3A_399 = tpu.vector_load %arg14[%swap3A_397, %swap3A_398] {strides = array<i32>} : memref<16x17xf32, #tpu.memory_space<vmem>>, vector<16xf32>,
          tpu.vector_store %arg14[%swap3A_397, %swap3A_398], %broadcast_in_dim3A_1 {strides = array<i32>} : memref<16x17xf32, #tpu.memory_space<vmem>>, vector<16xf32>,
          %get3A_400 = arith.constant 1 : i32
          %get3A_401 = arith.index_cast %get3A_400 : i32 to index
          %get3A_402 = arith.constant 0 : index
          %get3A_403 = tpu.vector_load %arg14[%get3A_401, %get3A_402] {strides = array<i32>} : memref<16x17xf32, #tpu.memory_space<vmem>>, vector<16xf32>,
          %add3A_404 = arith.addf %get3A_395, %get3A_403 : vector<16xf32>
          %swap3A_405 = arith.constant 1 : i32
          %swap3A_406 = arith.index_cast %swap3A_405 : i32 to index
          %swap3A_407 = arith.constant 0 : index
          %swap3A_408 = tpu.vector_load %arg14[%swap3A_406, %swap3A_407] {strides = array<i32>} : memref<16x17xf32, #tpu.memory_space<vmem>>, vector<16xf32>,
          tpu.vector_store %arg14[%swap3A_406, %swap3A_407], %broadcast_in_dim3A_1 {strides = array<i32>} : memref<16x17xf32, #tpu.memory_space<vmem>>, vector<16xf32>,
          %get3A_409 = arith.constant 2 : i32
          %get3A_410 = arith.index_cast %get3A_409 : i32 to index
          %get3A_411 = arith.constant 0 : index
          %get3A_412 = tpu.vector_load %arg14[%get3A_410, %get3A_411] {strides = array<i32>} : memref<16x17xf32, #tpu.memory_space<vmem>>, vector<16xf32>,
          %add3A_413 = arith.addf %add3A_404, %get3A_412 : vector<16xf32>
          %swap3A_414 = arith.constant 2 : i32
          %swap3A_415 = arith.index_cast %swap3A_414 : i32 to index
          %swap3A_416 = arith.constant 0 : index
          %swap3A_417 = tpu.vector_load %arg14[%swap3A_415, %swap3A_416] {strides = array<i32>} : memref<16x17xf32, #tpu.memory_space<vmem>>, vector<16xf32>,
          tpu.vector_store %arg14[%swap3A_415, %swap3A_416], %broadcast_in_dim3A_1 {strides = array<i32>} : memref<16x17xf32, #tpu.memory_space<vmem>>, vector<16xf32>,
          %get3A_418 = arith.constant 3 : i32
          %get3A_419 = arith.index_cast %get3A_418 : i32 to index
          %get3A_420 = arith.constant 0 : index
          %get3A_421 = tpu.vector_load %arg14[%get3A_419, %get3A_420] {strides = array<i32>} : memref<16x17xf32, #tpu.memory_space<vmem>>, vector<16xf32>,
          %add3A_422 = arith.addf %add3A_413, %get3A_421 : vector<16xf32>
          %swap3A_423 = arith.constant 3 : i32
          %swap3A_424 = arith.index_cast %swap3A_423 : i32 to index
          %swap3A_425 = arith.constant 0 : index
          %swap3A_426 = tpu.vector_load %arg14[%swap3A_424, %swap3A_425] {strides = array<i32>} : memref<16x17xf32, #tpu.memory_space<vmem>>, vector<16xf32>,
          tpu.vector_store %arg14[%swap3A_424, %swap3A_425], %broadcast_in_dim3A_1 {strides = array<i32>} : memref<16x17xf32, #tpu.memory_space<vmem>>, vector<16xf32>,
          %get3A_427 = arith.constant 4 : i32
          %get3A_428 = arith.index_cast %get3A_427 : i32 to index
          %get3A_429 = arith.constant 0 : index
          %get3A_430 = tpu.vector_load %arg14[%get3A_428, %get3A_429] {strides = array<i32>} : memref<16x17xf32, #tpu.memory_space<vmem>>, vector<16xf32>,
          %add3A_431 = arith.addf %add3A_422, %get3A_430 : vector<16xf32>
          %swap3A_432 = arith.constant 4 : i32
          %swap3A_433 = arith.index_cast %swap3A_432 : i32 to index
          %swap3A_434 = arith.constant 0 : index
          %swap3A_435 = tpu.vector_load %arg14[%swap3A_433, %swap3A_434] {strides = array<i32>} : memref<16x17xf32, #tpu.memory_space<vmem>>, vector<16xf32>,
          tpu.vector_store %arg14[%swap3A_433, %swap3A_434], %broadcast_in_dim3A_1 {strides = array<i32>} : memref<16x17xf32, #tpu.memory_space<vmem>>, vector<16xf32>,
          %get3A_436 = arith.constant 5 : i32
          %get3A_437 = arith.index_cast %get3A_436 : i32 to index
          %get3A_438 = arith.constant 0 : index
          %get3A_439 = tpu.vector_load %arg14[%get3A_437, %get3A_438] {strides = array<i32>} : memref<16x17xf32, #tpu.memory_space<vmem>>, vector<16xf32>,
          %add3A_440 = arith.addf %add3A_431, %get3A_439 : vector<16xf32>
          %swap3A_441 = arith.constant 5 : i32
          %swap3A_442 = arith.index_cast %swap3A_441 : i32 to index
          %swap3A_443 = arith.constant 0 : index
          %swap3A_444 = tpu.vector_load %arg14[%swap3A_442, %swap3A_443] {strides = array<i32>} : memref<16x17xf32, #tpu.memory_space<vmem>>, vector<16xf32>,
          tpu.vector_store %arg14[%swap3A_442, %swap3A_443], %broadcast_in_dim3A_1 {strides = array<i32>} : memref<16x17xf32, #tpu.memory_space<vmem>>, vector<16xf32>,
          %get3A_445 = arith.constant 6 : i32
          %get3A_446 = arith.index_cast %get3A_445 : i32 to index
          %get3A_447 = arith.constant 0 : index
          %get3A_448 = tpu.vector_load %arg14[%get3A_446, %get3A_447] {strides = array<i32>} : memref<16x17xf32, #tpu.memory_space<vmem>>, vector<16xf32>,
          %add3A_449 = arith.addf %add3A_440, %get3A_448 : vector<16xf32>
          %swap3A_450 = arith.constant 6 : i32
          %swap3A_451 = arith.index_cast %swap3A_450 : i32 to index
          %swap3A_452 = arith.constant 0 : index
          %swap3A_453 = tpu.vector_load %arg14[%swap3A_451, %swap3A_452] {strides = array<i32>} : memref<16x17xf32, #tpu.memory_space<vmem>>, vector<16xf32>,
          tpu.vector_store %arg14[%swap3A_451, %swap3A_452], %broadcast_in_dim3A_1 {strides = array<i32>} : memref<16x17xf32, #tpu.memory_space<vmem>>, vector<16xf32>,
          %get3A_454 = arith.constant 7 : i32
          %get3A_455 = arith.index_cast %get3A_454 : i32 to index
          %get3A_456 = arith.constant 0 : index
          %get3A_457 = tpu.vector_load %arg14[%get3A_455, %get3A_456] {strides = array<i32>} : memref<16x17xf32, #tpu.memory_space<vmem>>, vector<16xf32>,
          %add3A_458 = arith.addf %add3A_449, %get3A_457 : vector<16xf32>
          %swap3A_459 = arith.constant 7 : i32
          %swap3A_460 = arith.index_cast %swap3A_459 : i32 to index
          %swap3A_461 = arith.constant 0 : index
          %swap3A_462 = tpu.vector_load %arg14[%swap3A_460, %swap3A_461] {strides = array<i32>} : memref<16x17xf32, #tpu.memory_space<vmem>>, vector<16xf32>,
          tpu.vector_store %arg14[%swap3A_460, %swap3A_461], %broadcast_in_dim3A_1 {strides = array<i32>} : memref<16x17xf32, #tpu.memory_space<vmem>>, vector<16xf32>,
          %get3A_463 = arith.constant 8 : i32
          %get3A_464 = arith.index_cast %get3A_463 : i32 to index
          %get3A_465 = arith.constant 0 : index
          %get3A_466 = tpu.vector_load %arg14[%get3A_464, %get3A_465] {strides = array<i32>} : memref<16x17xf32, #tpu.memory_space<vmem>>, vector<16xf32>,
          %add3A_467 = arith.addf %add3A_458, %get3A_466 : vector<16xf32>
          %swap3A_468 = arith.constant 8 : i32
          %swap3A_469 = arith.index_cast %swap3A_468 : i32 to index
          %swap3A_470 = arith.constant 0 : index
          %swap3A_471 = tpu.vector_load %arg14[%swap3A_469, %swap3A_470] {strides = array<i32>} : memref<16x17xf32, #tpu.memory_space<vmem>>, vector<16xf32>,
          tpu.vector_store %arg14[%swap3A_469, %swap3A_470], %broadcast_in_dim3A_1 {strides = array<i32>} : memref<16x17xf32, #tpu.memory_space<vmem>>, vector<16xf32>,
          %get3A_472 = arith.constant 9 : i32
          %get3A_473 = arith.index_cast %get3A_472 : i32 to index
          %get3A_474 = arith.constant 0 : index
          %get3A_475 = tpu.vector_load %arg14[%get3A_473, %get3A_474] {strides = array<i32>} : memref<16x17xf32, #tpu.memory_space<vmem>>, vector<16xf32>,
          %add3A_476 = arith.addf %add3A_467, %get3A_475 : vector<16xf32>
          %swap3A_477 = arith.constant 9 : i32
          %swap3A_478 = arith.index_cast %swap3A_477 : i32 to index
          %swap3A_479 = arith.constant 0 : index
          %swap3A_480 = tpu.vector_load %arg14[%swap3A_478, %swap3A_479] {strides = array<i32>} : memref<16x17xf32, #tpu.memory_space<vmem>>, vector<16xf32>,
          tpu.vector_store %arg14[%swap3A_478, %swap3A_479], %broadcast_in_dim3A_1 {strides = array<i32>} : memref<16x17xf32, #tpu.memory_space<vmem>>, vector<16xf32>,
          %get3A_481 = arith.constant 10 : i32
          %get3A_482 = arith.index_cast %get3A_481 : i32 to index
          %get3A_483 = arith.constant 0 : index
          %get3A_484 = tpu.vector_load %arg14[%get3A_482, %get3A_483] {strides = array<i32>} : memref<16x17xf32, #tpu.memory_space<vmem>>, vector<16xf32>,
          %add3A_485 = arith.addf %add3A_476, %get3A_484 : vector<16xf32>
          %swap3A_486 = arith.constant 10 : i32
          %swap3A_487 = arith.index_cast %swap3A_486 : i32 to index
          %swap3A_488 = arith.constant 0 : index
          %swap3A_489 = tpu.vector_load %arg14[%swap3A_487, %swap3A_488] {strides = array<i32>} : memref<16x17xf32, #tpu.memory_space<vmem>>, vector<16xf32>,
          tpu.vector_store %arg14[%swap3A_487, %swap3A_488], %broadcast_in_dim3A_1 {strides = array<i32>} : memref<16x17xf32, #tpu.memory_space<vmem>>, vector<16xf32>,
          %get3A_490 = arith.constant 11 : i32
          %get3A_491 = arith.index_cast %get3A_490 : i32 to index
          %get3A_492 = arith.constant 0 : index
          %get3A_493 = tpu.vector_load %arg14[%get3A_491, %get3A_492] {strides = array<i32>} : memref<16x17xf32, #tpu.memory_space<vmem>>, vector<16xf32>,
          %add3A_494 = arith.addf %add3A_485, %get3A_493 : vector<16xf32>
          %swap3A_495 = arith.constant 11 : i32
          %swap3A_496 = arith.index_cast %swap3A_495 : i32 to index
          %swap3A_497 = arith.constant 0 : index
          %swap3A_498 = tpu.vector_load %arg14[%swap3A_496, %swap3A_497] {strides = array<i32>} : memref<16x17xf32, #tpu.memory_space<vmem>>, vector<16xf32>,
          tpu.vector_store %arg14[%swap3A_496, %swap3A_497], %broadcast_in_dim3A_1 {strides = array<i32>} : memref<16x17xf32, #tpu.memory_space<vmem>>, vector<16xf32>,
          %get3A_499 = arith.constant 12 : i32
          %get3A_500 = arith.index_cast %get3A_499 : i32 to index
          %get3A_501 = arith.constant 0 : index
          %get3A_502 = tpu.vector_load %arg14[%get3A_500, %get3A_501] {strides = array<i32>} : memref<16x17xf32, #tpu.memory_space<vmem>>, vector<16xf32>,
          %add3A_503 = arith.addf %add3A_494, %get3A_502 : vector<16xf32>
          %swap3A_504 = arith.constant 12 : i32
          %swap3A_505 = arith.index_cast %swap3A_504 : i32 to index
          %swap3A_506 = arith.constant 0 : index
          %swap3A_507 = tpu.vector_load %arg14[%swap3A_505, %swap3A_506] {strides = array<i32>} : memref<16x17xf32, #tpu.memory_space<vmem>>, vector<16xf32>,
          tpu.vector_store %arg14[%swap3A_505, %swap3A_506], %broadcast_in_dim3A_1 {strides = array<i32>} : memref<16x17xf32, #tpu.memory_space<vmem>>, vector<16xf32>,
          %get3A_508 = arith.constant 13 : i32
          %get3A_509 = arith.index_cast %get3A_508 : i32 to index
          %get3A_510 = arith.constant 0 : index
          %get3A_511 = tpu.vector_load %arg14[%get3A_509, %get3A_510] {strides = array<i32>} : memref<16x17xf32, #tpu.memory_space<vmem>>, vector<16xf32>,
          %add3A_512 = arith.addf %add3A_503, %get3A_511 : vector<16xf32>
          %swap3A_513 = arith.constant 13 : i32
          %swap3A_514 = arith.index_cast %swap3A_513 : i32 to index
          %swap3A_515 = arith.constant 0 : index
          %swap3A_516 = tpu.vector_load %arg14[%swap3A_514, %swap3A_515] {strides = array<i32>} : memref<16x17xf32, #tpu.memory_space<vmem>>, vector<16xf32>,
          tpu.vector_store %arg14[%swap3A_514, %swap3A_515], %broadcast_in_dim3A_1 {strides = array<i32>} : memref<16x17xf32, #tpu.memory_space<vmem>>, vector<16xf32>,
          %get3A_517 = arith.constant 14 : i32
          %get3A_518 = arith.index_cast %get3A_517 : i32 to index
          %get3A_519 = arith.constant 0 : index
          %get3A_520 = tpu.vector_load %arg14[%get3A_518, %get3A_519] {strides = array<i32>} : memref<16x17xf32, #tpu.memory_space<vmem>>, vector<16xf32>,
          %add3A_521 = arith.addf %add3A_512, %get3A_520 : vector<16xf32>
          %swap3A_522 = arith.constant 14 : i32
          %swap3A_523 = arith.index_cast %swap3A_522 : i32 to index
          %swap3A_524 = arith.constant 0 : index
          %swap3A_525 = tpu.vector_load %arg14[%swap3A_523, %swap3A_524] {strides = array<i32>} : memref<16x17xf32, #tpu.memory_space<vmem>>, vector<16xf32>,
          tpu.vector_store %arg14[%swap3A_523, %swap3A_524], %broadcast_in_dim3A_1 {strides = array<i32>} : memref<16x17xf32, #tpu.memory_space<vmem>>, vector<16xf32>,
          %get3A_526 = arith.constant 15 : i32
          %get3A_527 = arith.index_cast %get3A_526 : i32 to index
          %get3A_528 = arith.constant 0 : index
          %get3A_529 = tpu.vector_load %arg14[%get3A_527, %get3A_528] {strides = array<i32>} : memref<16x17xf32, #tpu.memory_space<vmem>>, vector<16xf32>,
          %add3A_530 = arith.addf %add3A_521, %get3A_529 : vector<16xf32>
          %swap3A_531 = arith.constant 15 : i32
          %swap3A_532 = arith.index_cast %swap3A_531 : i32 to index
          %swap3A_533 = arith.constant 0 : index
          %swap3A_534 = tpu.vector_load %arg14[%swap3A_532, %swap3A_533] {strides = array<i32>} : memref<16x17xf32, #tpu.memory_space<vmem>>, vector<16xf32>,
          tpu.vector_store %arg14[%swap3A_532, %swap3A_533], %broadcast_in_dim3A_1 {strides = array<i32>} : memref<16x17xf32, #tpu.memory_space<vmem>>, vector<16xf32>,
          %broadcast_in_dim3A_535 = arith.constant true
          %broadcast_in_dim3A_536 = vector.broadcast %broadcast_in_dim3A_535 : i1 to vector<16xi1>
          %masked_cumsum3A_537 = tpu.scan <sum>, %add3A_530 masked %broadcast_in_dim3A_536 : vector<16xf32>, vector<16xi1> -> vector<16xf32>
          %sub3A_538 = arith.subf %select_n3A_148, %add3A_387 : f32
          %lt3A_539 = vector.broadcast %sub3A_538 : f32 to vector<16xf32>
          %lt3A_540 = arith.cmpf olt, %masked_cumsum3A_537, %lt3A_539 : vector<16xf32>
          %jit3A_541 = arith.constant 1.000000e+00 : f32
          %jit3A_542 = arith.constant 0.000000e+00 : f32
          %broadcast_in_dim3A_543 = vector.broadcast %jit3A_541 : f32 to vector<16xf32>
          %broadcast_in_dim3A_544 = vector.broadcast %jit3A_542 : f32 to vector<16xf32>
          %select_n3A_545 = arith.select %lt3A_540, %broadcast_in_dim3A_543, %broadcast_in_dim3A_544 : vector<16xi1>, vector<16xf32>
          %reduce_sum3A_546 = arith.constant true
          %reduce_sum3A_547 = vector.broadcast %reduce_sum3A_546 : i1 to vector<16xi1>
          %reduce_sum3A_548 = tpu.scan <sum>, %select_n3A_545 masked %reduce_sum3A_547 : vector<16xf32>, vector<16xi1> -> vector<16xf32>
          %reduce_sum3A_549 = vector.extract %reduce_sum3A_548[15] : f32 from vector<16xf32>
          %jit3A_550 = arith.constant 0.000000e+00 : f32
          %broadcast_in_dim3A_551 = vector.broadcast %jit3A_550 : f32 to vector<16xf32>
          %select_n3A_552 = arith.select %lt3A_540, %masked_cumsum3A_537, %broadcast_in_dim3A_551 : vector<16xi1>, vector<16xf32>
          %reduce_max3A_553 = arith.constant true
          %reduce_max3A_554 = vector.broadcast %reduce_max3A_553 : i1 to vector<16xi1>
          %reduce_max3A_555 = tpu.scan <max>, %select_n3A_552 masked %reduce_max3A_554 : vector<16xf32>, vector<16xi1> -> vector<16xf32>
          %reduce_max3A_556 = vector.extract %reduce_max3A_555[15] : f32 from vector<16xf32>
          %mul3A_557 = arith.constant 3.125000e-02 : f32
          %mul3A_558 = arith.mulf %reduce_sum3A_549, %mul3A_557 : f32
          %add3A_559 = arith.addf %add3A_385, %mul3A_558 : f32
          %add3A_560 = arith.addf %add3A_387, %reduce_max3A_556 : f32
          %parallel_loop3A_561 = arith.constant 0 : i32
          %parallel_loop3A_562 = arith.constant 313 : i32
          %parallel_loop3A_563 = arith.constant 1 : i32
          %parallel_loop3A_564 = arith.constant 5.120000e+02 : f32
          scf.for %parallel_loop3A_796 = %parallel_loop3A_561 to %parallel_loop3A_562 step %parallel_loop3A_563  : i32 {
            %parallel_loop3A_797 = arith.constant 16 : i32
            %parallel_loop3A_798 = arith.muli %parallel_loop3A_796, %parallel_loop3A_797 : i32
            %parallel_loop3A_799 = arith.addi %mul3A_141, %parallel_loop3A_798 : i32
            %parallel_loop3A_800 = arith.index_cast %parallel_loop3A_799 : i32 to index
            %parallel_loop3A_801 = tpu.vector_load %arg10[%parallel_loop3A_800] {strides = array<i32>} : memref<20032xf32, #tpu.memory_space<vmem>>, vector<16xf32>,
            %parallel_loop3A_802 = arith.constant 16 : i32
            %parallel_loop3A_803 = arith.muli %parallel_loop3A_796, %parallel_loop3A_802 : i32
            %parallel_loop3A_804 = arith.index_cast %parallel_loop3A_803 : i32 to index
            %parallel_loop3A_805 = tpu.vector_load %arg13[%parallel_loop3A_804] {strides = array<i32>} : memref<5008xf32, #tpu.memory_space<vmem>>, vector<16xf32>,
            %parallel_loop3A_806 = vector.broadcast %add3A_559 : f32 to vector<16xf32>
            %parallel_loop3A_807 = arith.subf %parallel_loop3A_805, %parallel_loop3A_806 : vector<16xf32>
            %parallel_loop3A_808 = vector.broadcast %parallel_loop3A_564 : f32 to vector<16xf32>
            %parallel_loop3A_809 = arith.mulf %parallel_loop3A_807, %parallel_loop3A_808 : vector<16xf32>
            %parallel_loop3A_810 = arith.fptosi %parallel_loop3A_809 : vector<16xf32> to vector<16xi32>
            %parallel_loop3A_811 = arith.constant 0 : i32
            %parallel_loop3A_812 = vector.broadcast %parallel_loop3A_811 : i32 to vector<16xi32>
            %parallel_loop3A_813 = arith.maxsi %parallel_loop3A_810, %parallel_loop3A_812 : vector<16xi32>
            %parallel_loop3A_814 = arith.constant 15 : i32
            %parallel_loop3A_815 = vector.broadcast %parallel_loop3A_814 : i32 to vector<16xi32>
            %parallel_loop3A_816 = arith.minsi %parallel_loop3A_813, %parallel_loop3A_815 : vector<16xi32>
            %parallel_loop3A_817 = arith.constant 0.000000e+00 : f32
            %parallel_loop3A_818 = vector.broadcast %parallel_loop3A_817 : f32 to vector<16xf32>
            %parallel_loop3A_819 = arith.cmpf oge, %parallel_loop3A_809, %parallel_loop3A_818 : vector<16xf32>
            %parallel_loop3A_820 = arith.constant 1.600000e+01 : f32
            %parallel_loop3A_821 = vector.broadcast %parallel_loop3A_820 : f32 to vector<16xf32>
            %parallel_loop3A_822 = arith.cmpf olt, %parallel_loop3A_809, %parallel_loop3A_821 : vector<16xf32>
            %parallel_loop3A_823 = arith.andi %parallel_loop3A_819, %parallel_loop3A_822 : vector<16xi1>
            %parallel_loop3A_824 = arith.constant 0.000000e+00 : f32
            %parallel_loop3A_825 = vector.broadcast %parallel_loop3A_824 : f32 to vector<16xf32>
            %parallel_loop3A_826 = arith.select %parallel_loop3A_823, %parallel_loop3A_801, %parallel_loop3A_825 : vector<16xi1>, vector<16xf32>
            tpu.vector_store_idx %arg14[%iota3A, %parallel_loop3A_816], %parallel_loop3A_826 {add = true} : memref<16x17xf32, #tpu.memory_space<vmem>>[vector<16xi32>, vector<16xi32>], vector<16xf32>,
          } {sc.loop_unroll_factor = 8 : i64, sc.parallel_access}
          %get3A_565 = arith.constant 0 : i32
          %get3A_566 = arith.index_cast %get3A_565 : i32 to index
          %get3A_567 = arith.constant 0 : index
          %get3A_568 = tpu.vector_load %arg14[%get3A_566, %get3A_567] {strides = array<i32>} : memref<16x17xf32, #tpu.memory_space<vmem>>, vector<16xf32>,
          %swap3A_569 = arith.constant 0 : i32
          %swap3A_570 = arith.index_cast %swap3A_569 : i32 to index
          %swap3A_571 = arith.constant 0 : index
          %swap3A_572 = tpu.vector_load %arg14[%swap3A_570, %swap3A_571] {strides = array<i32>} : memref<16x17xf32, #tpu.memory_space<vmem>>, vector<16xf32>,
          tpu.vector_store %arg14[%swap3A_570, %swap3A_571], %broadcast_in_dim3A_1 {strides = array<i32>} : memref<16x17xf32, #tpu.memory_space<vmem>>, vector<16xf32>,
          %get3A_573 = arith.constant 1 : i32
          %get3A_574 = arith.index_cast %get3A_573 : i32 to index
          %get3A_575 = arith.constant 0 : index
          %get3A_576 = tpu.vector_load %arg14[%get3A_574, %get3A_575] {strides = array<i32>} : memref<16x17xf32, #tpu.memory_space<vmem>>, vector<16xf32>,
          %add3A_577 = arith.addf %get3A_568, %get3A_576 : vector<16xf32>
          %swap3A_578 = arith.constant 1 : i32
          %swap3A_579 = arith.index_cast %swap3A_578 : i32 to index
          %swap3A_580 = arith.constant 0 : index
          %swap3A_581 = tpu.vector_load %arg14[%swap3A_579, %swap3A_580] {strides = array<i32>} : memref<16x17xf32, #tpu.memory_space<vmem>>, vector<16xf32>,
          tpu.vector_store %arg14[%swap3A_579, %swap3A_580], %broadcast_in_dim3A_1 {strides = array<i32>} : memref<16x17xf32, #tpu.memory_space<vmem>>, vector<16xf32>,
          %get3A_582 = arith.constant 2 : i32
          %get3A_583 = arith.index_cast %get3A_582 : i32 to index
          %get3A_584 = arith.constant 0 : index
          %get3A_585 = tpu.vector_load %arg14[%get3A_583, %get3A_584] {strides = array<i32>} : memref<16x17xf32, #tpu.memory_space<vmem>>, vector<16xf32>,
          %add3A_586 = arith.addf %add3A_577, %get3A_585 : vector<16xf32>
          %swap3A_587 = arith.constant 2 : i32
          %swap3A_588 = arith.index_cast %swap3A_587 : i32 to index
          %swap3A_589 = arith.constant 0 : index
          %swap3A_590 = tpu.vector_load %arg14[%swap3A_588, %swap3A_589] {strides = array<i32>} : memref<16x17xf32, #tpu.memory_space<vmem>>, vector<16xf32>,
          tpu.vector_store %arg14[%swap3A_588, %swap3A_589], %broadcast_in_dim3A_1 {strides = array<i32>} : memref<16x17xf32, #tpu.memory_space<vmem>>, vector<16xf32>,
          %get3A_591 = arith.constant 3 : i32
          %get3A_592 = arith.index_cast %get3A_591 : i32 to index
          %get3A_593 = arith.constant 0 : index
          %get3A_594 = tpu.vector_load %arg14[%get3A_592, %get3A_593] {strides = array<i32>} : memref<16x17xf32, #tpu.memory_space<vmem>>, vector<16xf32>,
          %add3A_595 = arith.addf %add3A_586, %get3A_594 : vector<16xf32>
          %swap3A_596 = arith.constant 3 : i32
          %swap3A_597 = arith.index_cast %swap3A_596 : i32 to index
          %swap3A_598 = arith.constant 0 : index
          %swap3A_599 = tpu.vector_load %arg14[%swap3A_597, %swap3A_598] {strides = array<i32>} : memref<16x17xf32, #tpu.memory_space<vmem>>, vector<16xf32>,
          tpu.vector_store %arg14[%swap3A_597, %swap3A_598], %broadcast_in_dim3A_1 {strides = array<i32>} : memref<16x17xf32, #tpu.memory_space<vmem>>, vector<16xf32>,
          %get3A_600 = arith.constant 4 : i32
          %get3A_601 = arith.index_cast %get3A_600 : i32 to index
          %get3A_602 = arith.constant 0 : index
          %get3A_603 = tpu.vector_load %arg14[%get3A_601, %get3A_602] {strides = array<i32>} : memref<16x17xf32, #tpu.memory_space<vmem>>, vector<16xf32>,
          %add3A_604 = arith.addf %add3A_595, %get3A_603 : vector<16xf32>
          %swap3A_605 = arith.constant 4 : i32
          %swap3A_606 = arith.index_cast %swap3A_605 : i32 to index
          %swap3A_607 = arith.constant 0 : index
          %swap3A_608 = tpu.vector_load %arg14[%swap3A_606, %swap3A_607] {strides = array<i32>} : memref<16x17xf32, #tpu.memory_space<vmem>>, vector<16xf32>,
          tpu.vector_store %arg14[%swap3A_606, %swap3A_607], %broadcast_in_dim3A_1 {strides = array<i32>} : memref<16x17xf32, #tpu.memory_space<vmem>>, vector<16xf32>,
          %get3A_609 = arith.constant 5 : i32
          %get3A_610 = arith.index_cast %get3A_609 : i32 to index
          %get3A_611 = arith.constant 0 : index
          %get3A_612 = tpu.vector_load %arg14[%get3A_610, %get3A_611] {strides = array<i32>} : memref<16x17xf32, #tpu.memory_space<vmem>>, vector<16xf32>,
          %add3A_613 = arith.addf %add3A_604, %get3A_612 : vector<16xf32>
          %swap3A_614 = arith.constant 5 : i32
          %swap3A_615 = arith.index_cast %swap3A_614 : i32 to index
          %swap3A_616 = arith.constant 0 : index
          %swap3A_617 = tpu.vector_load %arg14[%swap3A_615, %swap3A_616] {strides = array<i32>} : memref<16x17xf32, #tpu.memory_space<vmem>>, vector<16xf32>,
          tpu.vector_store %arg14[%swap3A_615, %swap3A_616], %broadcast_in_dim3A_1 {strides = array<i32>} : memref<16x17xf32, #tpu.memory_space<vmem>>, vector<16xf32>,
          %get3A_618 = arith.constant 6 : i32
          %get3A_619 = arith.index_cast %get3A_618 : i32 to index
          %get3A_620 = arith.constant 0 : index
          %get3A_621 = tpu.vector_load %arg14[%get3A_619, %get3A_620] {strides = array<i32>} : memref<16x17xf32, #tpu.memory_space<vmem>>, vector<16xf32>,
          %add3A_622 = arith.addf %add3A_613, %get3A_621 : vector<16xf32>
          %swap3A_623 = arith.constant 6 : i32
          %swap3A_624 = arith.index_cast %swap3A_623 : i32 to index
          %swap3A_625 = arith.constant 0 : index
          %swap3A_626 = tpu.vector_load %arg14[%swap3A_624, %swap3A_625] {strides = array<i32>} : memref<16x17xf32, #tpu.memory_space<vmem>>, vector<16xf32>,
          tpu.vector_store %arg14[%swap3A_624, %swap3A_625], %broadcast_in_dim3A_1 {strides = array<i32>} : memref<16x17xf32, #tpu.memory_space<vmem>>, vector<16xf32>,
          %get3A_627 = arith.constant 7 : i32
          %get3A_628 = arith.index_cast %get3A_627 : i32 to index
          %get3A_629 = arith.constant 0 : index
          %get3A_630 = tpu.vector_load %arg14[%get3A_628, %get3A_629] {strides = array<i32>} : memref<16x17xf32, #tpu.memory_space<vmem>>, vector<16xf32>,
          %add3A_631 = arith.addf %add3A_622, %get3A_630 : vector<16xf32>
          %swap3A_632 = arith.constant 7 : i32
          %swap3A_633 = arith.index_cast %swap3A_632 : i32 to index
          %swap3A_634 = arith.constant 0 : index
          %swap3A_635 = tpu.vector_load %arg14[%swap3A_633, %swap3A_634] {strides = array<i32>} : memref<16x17xf32, #tpu.memory_space<vmem>>, vector<16xf32>,
          tpu.vector_store %arg14[%swap3A_633, %swap3A_634], %broadcast_in_dim3A_1 {strides = array<i32>} : memref<16x17xf32, #tpu.memory_space<vmem>>, vector<16xf32>,
          %get3A_636 = arith.constant 8 : i32
          %get3A_637 = arith.index_cast %get3A_636 : i32 to index
          %get3A_638 = arith.constant 0 : index
          %get3A_639 = tpu.vector_load %arg14[%get3A_637, %get3A_638] {strides = array<i32>} : memref<16x17xf32, #tpu.memory_space<vmem>>, vector<16xf32>,
          %add3A_640 = arith.addf %add3A_631, %get3A_639 : vector<16xf32>
          %swap3A_641 = arith.constant 8 : i32
          %swap3A_642 = arith.index_cast %swap3A_641 : i32 to index
          %swap3A_643 = arith.constant 0 : index
          %swap3A_644 = tpu.vector_load %arg14[%swap3A_642, %swap3A_643] {strides = array<i32>} : memref<16x17xf32, #tpu.memory_space<vmem>>, vector<16xf32>,
          tpu.vector_store %arg14[%swap3A_642, %swap3A_643], %broadcast_in_dim3A_1 {strides = array<i32>} : memref<16x17xf32, #tpu.memory_space<vmem>>, vector<16xf32>,
          %get3A_645 = arith.constant 9 : i32
          %get3A_646 = arith.index_cast %get3A_645 : i32 to index
          %get3A_647 = arith.constant 0 : index
          %get3A_648 = tpu.vector_load %arg14[%get3A_646, %get3A_647] {strides = array<i32>} : memref<16x17xf32, #tpu.memory_space<vmem>>, vector<16xf32>,
          %add3A_649 = arith.addf %add3A_640, %get3A_648 : vector<16xf32>
          %swap3A_650 = arith.constant 9 : i32
          %swap3A_651 = arith.index_cast %swap3A_650 : i32 to index
          %swap3A_652 = arith.constant 0 : index
          %swap3A_653 = tpu.vector_load %arg14[%swap3A_651, %swap3A_652] {strides = array<i32>} : memref<16x17xf32, #tpu.memory_space<vmem>>, vector<16xf32>,
          tpu.vector_store %arg14[%swap3A_651, %swap3A_652], %broadcast_in_dim3A_1 {strides = array<i32>} : memref<16x17xf32, #tpu.memory_space<vmem>>, vector<16xf32>,
          %get3A_654 = arith.constant 10 : i32
          %get3A_655 = arith.index_cast %get3A_654 : i32 to index
          %get3A_656 = arith.constant 0 : index
          %get3A_657 = tpu.vector_load %arg14[%get3A_655, %get3A_656] {strides = array<i32>} : memref<16x17xf32, #tpu.memory_space<vmem>>, vector<16xf32>,
          %add3A_658 = arith.addf %add3A_649, %get3A_657 : vector<16xf32>
          %swap3A_659 = arith.constant 10 : i32
          %swap3A_660 = arith.index_cast %swap3A_659 : i32 to index
          %swap3A_661 = arith.constant 0 : index
          %swap3A_662 = tpu.vector_load %arg14[%swap3A_660, %swap3A_661] {strides = array<i32>} : memref<16x17xf32, #tpu.memory_space<vmem>>, vector<16xf32>,
          tpu.vector_store %arg14[%swap3A_660, %swap3A_661], %broadcast_in_dim3A_1 {strides = array<i32>} : memref<16x17xf32, #tpu.memory_space<vmem>>, vector<16xf32>,
          %get3A_663 = arith.constant 11 : i32
          %get3A_664 = arith.index_cast %get3A_663 : i32 to index
          %get3A_665 = arith.constant 0 : index
          %get3A_666 = tpu.vector_load %arg14[%get3A_664, %get3A_665] {strides = array<i32>} : memref<16x17xf32, #tpu.memory_space<vmem>>, vector<16xf32>,
          %add3A_667 = arith.addf %add3A_658, %get3A_666 : vector<16xf32>
          %swap3A_668 = arith.constant 11 : i32
          %swap3A_669 = arith.index_cast %swap3A_668 : i32 to index
          %swap3A_670 = arith.constant 0 : index
          %swap3A_671 = tpu.vector_load %arg14[%swap3A_669, %swap3A_670] {strides = array<i32>} : memref<16x17xf32, #tpu.memory_space<vmem>>, vector<16xf32>,
          tpu.vector_store %arg14[%swap3A_669, %swap3A_670], %broadcast_in_dim3A_1 {strides = array<i32>} : memref<16x17xf32, #tpu.memory_space<vmem>>, vector<16xf32>,
          %get3A_672 = arith.constant 12 : i32
          %get3A_673 = arith.index_cast %get3A_672 : i32 to index
          %get3A_674 = arith.constant 0 : index
          %get3A_675 = tpu.vector_load %arg14[%get3A_673, %get3A_674] {strides = array<i32>} : memref<16x17xf32, #tpu.memory_space<vmem>>, vector<16xf32>,
          %add3A_676 = arith.addf %add3A_667, %get3A_675 : vector<16xf32>
          %swap3A_677 = arith.constant 12 : i32
          %swap3A_678 = arith.index_cast %swap3A_677 : i32 to index
          %swap3A_679 = arith.constant 0 : index
          %swap3A_680 = tpu.vector_load %arg14[%swap3A_678, %swap3A_679] {strides = array<i32>} : memref<16x17xf32, #tpu.memory_space<vmem>>, vector<16xf32>,
          tpu.vector_store %arg14[%swap3A_678, %swap3A_679], %broadcast_in_dim3A_1 {strides = array<i32>} : memref<16x17xf32, #tpu.memory_space<vmem>>, vector<16xf32>,
          %get3A_681 = arith.constant 13 : i32
          %get3A_682 = arith.index_cast %get3A_681 : i32 to index
          %get3A_683 = arith.constant 0 : index
          %get3A_684 = tpu.vector_load %arg14[%get3A_682, %get3A_683] {strides = array<i32>} : memref<16x17xf32, #tpu.memory_space<vmem>>, vector<16xf32>,
          %add3A_685 = arith.addf %add3A_676, %get3A_684 : vector<16xf32>
          %swap3A_686 = arith.constant 13 : i32
          %swap3A_687 = arith.index_cast %swap3A_686 : i32 to index
          %swap3A_688 = arith.constant 0 : index
          %swap3A_689 = tpu.vector_load %arg14[%swap3A_687, %swap3A_688] {strides = array<i32>} : memref<16x17xf32, #tpu.memory_space<vmem>>, vector<16xf32>,
          tpu.vector_store %arg14[%swap3A_687, %swap3A_688], %broadcast_in_dim3A_1 {strides = array<i32>} : memref<16x17xf32, #tpu.memory_space<vmem>>, vector<16xf32>,
          %get3A_690 = arith.constant 14 : i32
          %get3A_691 = arith.index_cast %get3A_690 : i32 to index
          %get3A_692 = arith.constant 0 : index
          %get3A_693 = tpu.vector_load %arg14[%get3A_691, %get3A_692] {strides = array<i32>} : memref<16x17xf32, #tpu.memory_space<vmem>>, vector<16xf32>,
          %add3A_694 = arith.addf %add3A_685, %get3A_693 : vector<16xf32>
          %swap3A_695 = arith.constant 14 : i32
          %swap3A_696 = arith.index_cast %swap3A_695 : i32 to index
          %swap3A_697 = arith.constant 0 : index
          %swap3A_698 = tpu.vector_load %arg14[%swap3A_696, %swap3A_697] {strides = array<i32>} : memref<16x17xf32, #tpu.memory_space<vmem>>, vector<16xf32>,
          tpu.vector_store %arg14[%swap3A_696, %swap3A_697], %broadcast_in_dim3A_1 {strides = array<i32>} : memref<16x17xf32, #tpu.memory_space<vmem>>, vector<16xf32>,
          %get3A_699 = arith.constant 15 : i32
          %get3A_700 = arith.index_cast %get3A_699 : i32 to index
          %get3A_701 = arith.constant 0 : index
          %get3A_702 = tpu.vector_load %arg14[%get3A_700, %get3A_701] {strides = array<i32>} : memref<16x17xf32, #tpu.memory_space<vmem>>, vector<16xf32>,
          %add3A_703 = arith.addf %add3A_694, %get3A_702 : vector<16xf32>
          %swap3A_704 = arith.constant 15 : i32
          %swap3A_705 = arith.index_cast %swap3A_704 : i32 to index
          %swap3A_706 = arith.constant 0 : index
          %swap3A_707 = tpu.vector_load %arg14[%swap3A_705, %swap3A_706] {strides = array<i32>} : memref<16x17xf32, #tpu.memory_space<vmem>>, vector<16xf32>,
          tpu.vector_store %arg14[%swap3A_705, %swap3A_706], %broadcast_in_dim3A_1 {strides = array<i32>} : memref<16x17xf32, #tpu.memory_space<vmem>>, vector<16xf32>,
          %broadcast_in_dim3A_708 = arith.constant true
          %broadcast_in_dim3A_709 = vector.broadcast %broadcast_in_dim3A_708 : i1 to vector<16xi1>
          %masked_cumsum3A_710 = tpu.scan <sum>, %add3A_703 masked %broadcast_in_dim3A_709 : vector<16xf32>, vector<16xi1> -> vector<16xf32>
          %sub3A_711 = arith.subf %select_n3A_148, %add3A_560 : f32
          %lt3A_712 = vector.broadcast %sub3A_711 : f32 to vector<16xf32>
          %lt3A_713 = arith.cmpf olt, %masked_cumsum3A_710, %lt3A_712 : vector<16xf32>
          %jit3A_714 = arith.constant 1.000000e+00 : f32
          %jit3A_715 = arith.constant 0.000000e+00 : f32
          %broadcast_in_dim3A_716 = vector.broadcast %jit3A_714 : f32 to vector<16xf32>
          %broadcast_in_dim3A_717 = vector.broadcast %jit3A_715 : f32 to vector<16xf32>
          %select_n3A_718 = arith.select %lt3A_713, %broadcast_in_dim3A_716, %broadcast_in_dim3A_717 : vector<16xi1>, vector<16xf32>
          %reduce_sum3A_719 = arith.constant true
          %reduce_sum3A_720 = vector.broadcast %reduce_sum3A_719 : i1 to vector<16xi1>
          %reduce_sum3A_721 = tpu.scan <sum>, %select_n3A_718 masked %reduce_sum3A_720 : vector<16xf32>, vector<16xi1> -> vector<16xf32>
          %reduce_sum3A_722 = vector.extract %reduce_sum3A_721[15] : f32 from vector<16xf32>
          %jit3A_723 = arith.constant 0.000000e+00 : f32
          %broadcast_in_dim3A_724 = vector.broadcast %jit3A_723 : f32 to vector<16xf32>
          %select_n3A_725 = arith.select %lt3A_713, %masked_cumsum3A_710, %broadcast_in_dim3A_724 : vector<16xi1>, vector<16xf32>
          %reduce_max3A_726 = arith.constant true
          %reduce_max3A_727 = vector.broadcast %reduce_max3A_726 : i1 to vector<16xi1>
          %reduce_max3A_728 = tpu.scan <max>, %select_n3A_725 masked %reduce_max3A_727 : vector<16xf32>, vector<16xi1> -> vector<16xf32>
          %reduce_max3A_729 = vector.extract %reduce_max3A_728[15] : f32 from vector<16xf32>
          %mul3A_730 = arith.constant 0.001953125 : f32
          %mul3A_731 = arith.mulf %reduce_sum3A_722, %mul3A_730 : f32
          %add3A_732 = arith.addf %add3A_559, %mul3A_731 : f32
          %add3A_733 = arith.addf %add3A_560, %reduce_max3A_729 : f32
          %convert_element_type3A_734 = arith.fptosi %reduce_sum3A_722 : f32 to i32
          %eq3A_735 = vector.broadcast %convert_element_type3A_734 : i32 to vector<16xi32>
          %eq3A_736 = arith.cmpi eq, %iota3A, %eq3A_735 : vector<16xi32>
          %jit3A_737 = arith.constant 0.000000e+00 : f32
          %broadcast_in_dim3A_738 = vector.broadcast %jit3A_737 : f32 to vector<16xf32>
          %select_n3A_739 = arith.select %eq3A_736, %add3A_703, %broadcast_in_dim3A_738 : vector<16xi1>, vector<16xf32>
          %reduce_sum3A_740 = arith.constant true
          %reduce_sum3A_741 = vector.broadcast %reduce_sum3A_740 : i1 to vector<16xi1>
          %reduce_sum3A_742 = tpu.scan <sum>, %select_n3A_739 masked %reduce_sum3A_741 : vector<16xf32>, vector<16xi1> -> vector<16xf32>
          %reduce_sum3A_743 = vector.extract %reduce_sum3A_742[15] : f32 from vector<16xf32>
          %add3A_744 = arith.constant 0.001953125 : f32
          %add3A_745 = arith.addf %add3A_732, %add3A_744 : f32
          %scan3A_746 = arith.constant 0 : i32
          %scan3A_747 = arith.constant 313 : i32
          %scan3A_748 = arith.addi %scan3A_746, %scan3A_747 : i32
          %scan3A_749 = arith.constant 1 : i32
          %scan3A_750:2 = scf.for %scan3A_796 = %scan3A_746 to %scan3A_748 step %scan3A_749 iter_args(%scan3A_797 = %broadcast_in_dim3A_1, %scan3A_798 = %broadcast_in_dim3A_1) -> (vector<16xf32>, vector<16xf32>)  : i32 {
            %mul3A_799 = arith.constant 16 : i32
            %mul3A_800 = arith.muli %scan3A_796, %mul3A_799 : i32
            %add3A_801 = arith.addi %mul3A_141, %mul3A_800 : i32
            %get3A_802 = arith.index_cast %add3A_801 : i32 to index
            %get3A_803 = tpu.vector_load %arg10[%get3A_802] {strides = array<i32>} : memref<20032xf32, #tpu.memory_space<vmem>>, vector<16xf32>,
            %mul3A_804 = arith.constant 16 : i32
            %mul3A_805 = arith.muli %scan3A_796, %mul3A_804 : i32
            %get3A_806 = arith.index_cast %mul3A_805 : i32 to index
            %get3A_807 = tpu.vector_load %arg13[%get3A_806] {strides = array<i32>} : memref<5008xf32, #tpu.memory_space<vmem>>, vector<16xf32>,
            %mul3A_808 = arith.mulf %get3A_803, %get3A_807 : vector<16xf32>
            %lt3A_809 = vector.broadcast %add3A_732 : f32 to vector<16xf32>
            %lt3A_810 = arith.cmpf olt, %get3A_807, %lt3A_809 : vector<16xf32>
            %ge3A_811 = vector.broadcast %add3A_732 : f32 to vector<16xf32>
            %ge3A_812 = arith.cmpf oge, %get3A_807, %ge3A_811 : vector<16xf32>
            %lt3A_813 = vector.broadcast %add3A_745 : f32 to vector<16xf32>
            %lt3A_814 = arith.cmpf olt, %get3A_807, %lt3A_813 : vector<16xf32>
            %and3A = arith.andi %ge3A_812, %lt3A_814 : vector<16xi1>
            %jit3A_815 = arith.constant 0.000000e+00 : f32
            %broadcast_in_dim3A_816 = vector.broadcast %jit3A_815 : f32 to vector<16xf32>
            %select_n3A_817 = arith.select %lt3A_810, %mul3A_808, %broadcast_in_dim3A_816 : vector<16xi1>, vector<16xf32>
            %add3A_818 = arith.addf %scan3A_797, %select_n3A_817 : vector<16xf32>
            %jit3A_819 = arith.constant 0.000000e+00 : f32
            %broadcast_in_dim3A_820 = vector.broadcast %jit3A_819 : f32 to vector<16xf32>
            %select_n3A_821 = arith.select %and3A, %mul3A_808, %broadcast_in_dim3A_820 : vector<16xi1>, vector<16xf32>
            %add3A_822 = arith.addf %scan3A_798, %select_n3A_821 : vector<16xf32>
            scf.yield %add3A_818, %add3A_822 : vector<16xf32>, vector<16xf32>
          }
          %scan3A_751 = arith.constant 313 : i32
          %reduce_sum3A_752 = arith.constant true
          %reduce_sum3A_753 = vector.broadcast %reduce_sum3A_752 : i1 to vector<16xi1>
          %reduce_sum3A_754 = tpu.scan <sum>, %scan3A_750#0 masked %reduce_sum3A_753 : vector<16xf32>, vector<16xi1> -> vector<16xf32>
          %reduce_sum3A_755 = vector.extract %reduce_sum3A_754[15] : f32 from vector<16xf32>
          %reduce_sum3A_756 = arith.constant true
          %reduce_sum3A_757 = vector.broadcast %reduce_sum3A_756 : i1 to vector<16xi1>
          %reduce_sum3A_758 = tpu.scan <sum>, %scan3A_750#1 masked %reduce_sum3A_757 : vector<16xf32>, vector<16xi1> -> vector<16xf32>
          %reduce_sum3A_759 = vector.extract %reduce_sum3A_758[15] : f32 from vector<16xf32>
          %sub3A_760 = arith.subf %select_n3A_148, %add3A_733 : f32
          %max3A = arith.constant 0.000000e+00 : f32
          %max3A_761 = arith.maximumf %sub3A_760, %max3A : f32
          %max3A_762 = arith.constant 9.99999968E-21 : f32
          %max3A_763 = arith.maximumf %reduce_sum3A_743, %max3A_762 : f32
          %bitcast_convert_type3A = arith.bitcast %max3A_763 : f32 to i32
          %sub3A_764 = arith.constant 2129859011 : i32
          %sub3A_765 = arith.subi %sub3A_764, %bitcast_convert_type3A : i32
          %bitcast_convert_type3A_766 = arith.bitcast %sub3A_765 : i32 to f32
          %mul3A_767 = arith.mulf %max3A_763, %bitcast_convert_type3A_766 : f32
          %sub3A_768 = arith.constant 2.000000e+00 : f32
          %sub3A_769 = arith.subf %sub3A_768, %mul3A_767 : f32
          %mul3A_770 = arith.mulf %bitcast_convert_type3A_766, %sub3A_769 : f32
          %mul3A_771 = arith.mulf %max3A_763, %mul3A_770 : f32
          %sub3A_772 = arith.constant 2.000000e+00 : f32
          %sub3A_773 = arith.subf %sub3A_772, %mul3A_771 : f32
          %mul3A_774 = arith.mulf %mul3A_770, %sub3A_773 : f32
          %mul3A_775 = arith.mulf %max3A_763, %mul3A_774 : f32
          %sub3A_776 = arith.constant 2.000000e+00 : f32
          %sub3A_777 = arith.subf %sub3A_776, %mul3A_775 : f32
          %mul3A_778 = arith.mulf %mul3A_774, %sub3A_777 : f32
          %mul3A_779 = arith.mulf %max3A_761, %mul3A_778 : f32
          %min3A = arith.constant 1.000000e+00 : f32
          %min3A_780 = arith.minimumf %mul3A_779, %min3A : f32
          %mul3A_781 = arith.constant 0.001953125 : f32
          %mul3A_782 = arith.mulf %min3A_780, %mul3A_781 : f32
          %add3A_783 = arith.addf %add3A_732, %mul3A_782 : f32
          %mul3A_784 = arith.mulf %select_n3A_148, %add3A_783 : f32
          %mul3A_785 = arith.mulf %min3A_780, %reduce_sum3A_743 : f32
          %add3A_786 = arith.addf %add3A_733, %mul3A_785 : f32
          %mul3A_787 = arith.mulf %add3A_783, %add3A_786 : f32
          %sub3A_788 = arith.subf %mul3A_784, %mul3A_787 : f32
          %mul3A_789 = arith.mulf %min3A_780, %reduce_sum3A_759 : f32
          %add3A_790 = arith.addf %reduce_sum3A_755, %mul3A_789 : f32
          %add3A_791 = arith.addf %sub3A_788, %add3A_790 : f32
          %eq3A_792 = vector.broadcast %scan3A_198 : i32 to vector<16xi32>
          %eq3A_793 = arith.cmpi eq, %iota3A, %eq3A_792 : vector<16xi32>
          %broadcast_in_dim3A_794 = vector.broadcast %add3A_791 : f32 to vector<16xf32>
          %select_n3A_795 = arith.select %eq3A_793, %broadcast_in_dim3A_794, %scan3A_199 : vector<16xi1>, vector<16xf32>
          scf.yield %select_n3A_795 : vector<16xf32>
        }
        %scan3A_157 = arith.constant 16 : i32
        %mul3A_158 = vector.broadcast %select_n3A_148 : f32 to vector<16xf32>
        %mul3A_159 = arith.mulf %scan3A_156, %mul3A_158 : vector<16xf32>
        %bitcast3A = vector.bitcast %mul3A_159 : vector<16xf32> to vector<16xi32>
        %shift_right_arithmetic3A = arith.constant 1 : i32
        %shift_right_arithmetic3A_160 = vector.broadcast %shift_right_arithmetic3A : i32 to vector<16xi32>
        %shift_right_arithmetic3A_161 = arith.shrsi %bitcast3A, %shift_right_arithmetic3A_160 : vector<16xi32>
        %sub3A_162 = arith.constant 1597463007 : i32
        %sub3A_163 = vector.broadcast %sub3A_162 : i32 to vector<16xi32>
        %sub3A_164 = arith.subi %sub3A_163, %shift_right_arithmetic3A_161 : vector<16xi32>
        %bitcast3A_165 = vector.bitcast %sub3A_164 : vector<16xi32> to vector<16xf32>
        %mul3A_166 = arith.constant 5.000000e-01 : f32
        %mul3A_167 = vector.broadcast %mul3A_166 : f32 to vector<16xf32>
        %mul3A_168 = arith.mulf %mul3A_167, %mul3A_159 : vector<16xf32>
        %mul3A_169 = arith.mulf %mul3A_168, %bitcast3A_165 : vector<16xf32>
        %mul3A_170 = arith.mulf %mul3A_169, %bitcast3A_165 : vector<16xf32>
        %sub3A_171 = arith.constant 1.500000e+00 : f32
        %sub3A_172 = vector.broadcast %sub3A_171 : f32 to vector<16xf32>
        %sub3A_173 = arith.subf %sub3A_172, %mul3A_170 : vector<16xf32>
        %mul3A_174 = arith.mulf %bitcast3A_165, %sub3A_173 : vector<16xf32>
        %mul3A_175 = arith.constant 5.000000e-01 : f32
        %mul3A_176 = vector.broadcast %mul3A_175 : f32 to vector<16xf32>
        %mul3A_177 = arith.mulf %mul3A_176, %mul3A_159 : vector<16xf32>
        %mul3A_178 = arith.mulf %mul3A_177, %mul3A_174 : vector<16xf32>
        %mul3A_179 = arith.mulf %mul3A_178, %mul3A_174 : vector<16xf32>
        %sub3A_180 = arith.constant 1.500000e+00 : f32
        %sub3A_181 = vector.broadcast %sub3A_180 : f32 to vector<16xf32>
        %sub3A_182 = arith.subf %sub3A_181, %mul3A_179 : vector<16xf32>
        %mul3A_183 = arith.mulf %mul3A_174, %sub3A_182 : vector<16xf32>
        %mul3A_184 = arith.constant 5.000000e-01 : f32
        %mul3A_185 = vector.broadcast %mul3A_184 : f32 to vector<16xf32>
        %mul3A_186 = arith.mulf %mul3A_185, %mul3A_159 : vector<16xf32>
        %mul3A_187 = arith.mulf %mul3A_186, %mul3A_183 : vector<16xf32>
        %mul3A_188 = arith.mulf %mul3A_187, %mul3A_183 : vector<16xf32>
        %sub3A_189 = arith.constant 1.500000e+00 : f32
        %sub3A_190 = vector.broadcast %sub3A_189 : f32 to vector<16xf32>
        %sub3A_191 = arith.subf %sub3A_190, %mul3A_188 : vector<16xf32>
        %mul3A_192 = arith.mulf %mul3A_183, %sub3A_191 : vector<16xf32>
        %mul3A_193 = arith.mulf %scan3A_156, %mul3A_192 : vector<16xf32>
        %swap3A_194 = arith.constant 0 : index
        %swap3A_195 = tpu.vector_load %arg15[%swap3A_194] {strides = array<i32>} : memref<16xf32, #tpu.memory_space<vmem>>, vector<16xf32>,
        tpu.vector_store %arg15[%swap3A_194], %mul3A_193 {strides = array<i32>} : memref<16xf32, #tpu.memory_space<vmem>>, vector<16xf32>,
        %mul3A_196 = arith.constant 16 : i32
        %mul3A_197 = arith.muli %add3A_122, %mul3A_196 : i32
        "tpu.region"() ({
          %run_scoped3A = tpu.sem_alloc : memref<!tpu.dma_semaphore, #tpu.memory_space<semaphore_mem>>
          %dma_start3A = tpu.memref_slice %arg7[%mul3A_197] : memref<4416xf32, #tpu.memory_space<hbm>> -> memref<16xf32, #tpu.memory_space<hbm>>
          %dma_start3A_198 = tpu.memref_slice %arg7[%mul3A_197] : memref<4416xf32, #tpu.memory_space<hbm>> -> memref<16xf32, #tpu.memory_space<hbm>>
          tpu.enqueue_dma source(%arg15 : memref<16xf32, #tpu.memory_space<vmem>>) target(%dma_start3A_198 : memref<16xf32, #tpu.memory_space<hbm>>) target_semaphore(%run_scoped3A : memref<!tpu.dma_semaphore, #tpu.memory_space<semaphore_mem>>)
          %dma_wait3A = tpu.memref_slice %arg7[%mul3A_197] : memref<4416xf32, #tpu.memory_space<hbm>> -> memref<16xf32, #tpu.memory_space<hbm>>
          %dma_wait3A_199 = tpu.memref_slice %arg7[%mul3A_197] : memref<4416xf32, #tpu.memory_space<hbm>> -> memref<16xf32, #tpu.memory_space<hbm>>
          tpu.wait_dma2 semaphore(%run_scoped3A : memref<!tpu.dma_semaphore, #tpu.memory_space<semaphore_mem>>) src(%arg15 : memref<16xf32, #tpu.memory_space<vmem>>) dst(%dma_wait3A_199 : memref<16xf32, #tpu.memory_space<hbm>>)
          tpu.yield
        }) : () -> ()
      } else {
      }
      %scan3A_125 = arith.constant 0 : i32
      scf.yield %scan3A_125 : i32
    }
    %scan3A_117 = arith.constant 9 : i32
    return
  }
}

</mosaic_0001>

<sc_bundles>
// kernel: kernel.3.cloned.1.call-start
scs
__scs_entry_jumppad:
0x0: {  	(pc) =	sbr.rel $0x88, $3  }
0x1: {  	(tag) =	ssettag $0x0;
	lr =	simm.s32 $0x1  }
0x2: {  	[smem:$0x3F9F] =	sst lr;
	_ =	strace $0xD0000000  }
0x3: {  	_ = 	snop  }
0x4: {  	_ = 	snop  }
0x5: {  	_ = 	snop  }
0x6: {  	_ = 	snop  }
0x7: {  	_ = 	snop  }
__scs_overlays_trampoline_lowered:
0x8: {  	[smem:$0x3FAE] =	sst s0  }
0x9: {  	[smem:$0x3FAF] =	sst s1  }
0xa: {  	[smem:$0x3FB0] =	sst s2  }
0xb: {  	[smem:$0x3FB1] =	sst s3  }
0xc: {  	[smem:$0x3FB2] =	sst s4  }
0xd: {  	[smem:$0x3FB3] =	sst s5  }
0xe: {  	[smem:$0x3FB4] =	sst s6  }
0xf: {  	[smem:$0x3FB5] =	sst s7  }
0x10: {  	[smem:$0x3FB6] =	sst s8  }
0x11: {  	[smem:$0x3FB7] =	sst s9;
	s0 =	simm.s32 @!p0 $0x0  }
0x12: {  	s1 =	sld [smem:$0x3F9D];
	s0 =	simm.s32 @p0 $0x1  }
0x13: {  	[smem:$0x3FB8] =	sst s0;
	s0 =	simm.s32 @!p1 $0x0  }
0x14: {  	s2 =	sld [smem:$0x3F9C];
	s0 =	simm.s32 @p1 $0x1  }
0x15: {  	[smem:$0x3FB9] =	sst s0;
	s0 =	simm.s32 @!p2 $0x0  }
0x16: {  	s3 =	sld [smem:$0x3FDB];
	s0 =	simm.s32 @p2 $0x1  }
0x17: {  	s4 =	simm.s32 $0x1BF5;
	[smem:$0x3FBB] =	sst s0  }
0x18: {  	s0 =	sld [smem:$0x3F9E];
	_ =	swait.ge [sflag:s4], $0x0  }
0x19: {  	s7 =	sld [smem:$0x3F9F]  }
0x1a: {  	s8 =	sadd.s32 $0xFFFFE003, lr  }
0x1b: {  	s9 =	sadd.s32 $0xFFFFFEF7, lr;
	s5 =	simm.s32 $0xFFFFFFFF;
	p2 =	slt.u32 s8, $0xFFFFF086  }
0x1c: {  	p1 =	slt.u32 s9, $0xF7A;
	s5 =	simm.s32 @!p2 $0x0  }
0x1d: {  	s5 =	simm.s32 @p1 $0x1;
	p0 =	seq.s32 s7, s2  }
0x1e: {  	s7 =	smul.u32 @!p0 $0xF7A, s2;
	p2 =	seq.s32 @!p0 s5, $0x0  }
0x1f: {  	s9 =	smul.u32 $0xF7A, s1;
	s8 =	simm.s32 @!p0 $0x1BF5;
	p2 =	por !p2, p0  }
0x20: {  	[sflag:s8] =	ssyncset.s32 @!p0 $0xFFFFF086;
	s6 =	sadd.s32 @!p0 s3, s7;
	s7 =	simm.s32 @!p0 $0x108  }
0x21: {  	s3 =	sadd.s32 s3, s9;
	s6 =	sadd.s32 @!p0 $0x88, s6;
	s7 =	simm.s32 @p2 $0x1082  }
0x22: {  	[simem:s7], [sflag:s8] =	dma.local @!p0 [hbm:s6], $0xF7A  }
0x23: {  	s9 =	sor.u32 $0xD0000000, s2;
	s6 =	simm.s32 $0x108;
	_ =	swait.ge @!p0 [sflag:s8], $0x0  }
0x24: {  	s3 =	sadd.s32 $0x88, s3;
	s6 =	simm.s32 @!p1 $0x1082;
	[sflag:s4] =	ssyncset.s32 $0xFFFFF086  }
0x25: {  	[simem:s6], [sflag:s4] =	dma.local [hbm:s3], $0xF7A  }
0x26: {  	[smem:$0x3F9F] =	sst s1;
	(tag) =	ssettag s2;
	_ =	strace s9  }
0x27: {  	s1 =	sld [smem:$0x3FAF]  }
0x28: {  	s2 =	sld [smem:$0x3FB0]  }
0x29: {  	s4 =	sld [smem:$0x3FB2]  }
0x2a: {  	p0 =	seq.s32 s5, $0x0;
	s5 =	sld [smem:$0x3FB3]  }
0x2b: {  	s6 =	sld [smem:$0x3FB4]  }
0x2c: {  	s7 =	sld [smem:$0x3FB5]  }
0x2d: {  	s3 =	simm.s32 $0x108;
	s8 =	sld [smem:$0x3FB6]  }
0x2e: {  	s3 =	simm.s32 @!p0 $0x1082;
	s9 =	sld [smem:$0x3FB7]  }
0x2f: {  	lr =	sadd.s32 s0, s3;
	s0 =	sld [smem:$0x3FAE]  }
0x30: {  	s3 =	sld [smem:$0x3FB1]  }
0x31: {  	[smem:$0x3FBA] =	sst s10  }
0x32: {  	s10 =	sld [smem:$0x3FB8];
	_ =	sdelay $0x3  }
0x33: {  	p0 =	seq.s32 s10, $0x1;
	s10 =	sld [smem:$0x3FBA];
	_ =	sdelay $0x3  }
0x34: {  	[smem:$0x3FBA] =	sst s10  }
0x35: {  	s10 =	sld [smem:$0x3FB9];
	_ =	sdelay $0x3  }
0x36: {  	p1 =	seq.s32 s10, $0x1;
	s10 =	sld [smem:$0x3FBA];
	_ =	sdelay $0x3  }
0x37: {  	[smem:$0x3FBA] =	sst s10  }
0x38: {  	s10 =	sld [smem:$0x3FBB]  }
0x39: {  	_ = 	snop;
	(pc) =	sbr.ind lr, $3  }
0x3a: {  	_ = 	snop  }
0x3b: {  	_ = 	snop  }
0x3c: {  	p2 =	seq.s32 s10, $0x1;
	s10 =	sld [smem:$0x3FBA]  }
0x3d: {  	_ =	shalt  }
0x3e: {  	_ =	shalt  }
0x3f: {  	_ =	shalt  }
0x40: {  	_ =	shalt  }
0x41: {  	_ =	shalt  }
0x42: {  	_ =	shalt  }
0x43: {  	_ =	shalt  }
0x44: {  	_ =	shalt  }
0x45: {  	_ =	shalt  }
0x46: {  	_ =	shalt  }
0x47: {  	_ =	shalt  }
0x48: {  	_ =	shalt  }
0x49: {  	_ =	shalt  }
0x4a: {  	_ =	shalt  }
0x4b: {  	_ =	shalt  }
0x4c: {  	_ =	shalt  }
0x4d: {  	_ =	shalt  }
0x4e: {  	_ =	shalt  }
0x4f: {  	_ =	shalt  }
0x50: {  	_ =	shalt  }
0x51: {  	_ =	shalt  }
0x52: {  	_ =	shalt  }
0x53: {  	_ =	shalt  }
0x54: {  	_ =	shalt  }
0x55: {  	_ =	shalt  }
0x56: {  	_ =	shalt  }
0x57: {  	_ =	shalt  }
0x58: {  	_ =	shalt  }
0x59: {  	_ =	shalt  }
0x5a: {  	_ =	shalt  }
0x5b: {  	_ =	shalt  }
0x5c: {  	_ =	shalt  }
0x5d: {  	_ =	shalt  }
0x5e: {  	_ =	shalt  }
0x5f: {  	_ =	shalt  }
0x60: {  	_ =	shalt  }
0x61: {  	_ =	shalt  }
0x62: {  	_ =	shalt  }
0x63: {  	_ =	shalt  }
0x64: {  	_ =	shalt  }
0x65: {  	_ =	shalt  }
0x66: {  	_ =	shalt  }
0x67: {  	_ =	shalt  }
0x68: {  	_ =	shalt  }
0x69: {  	_ =	shalt  }
0x6a: {  	_ =	shalt  }
0x6b: {  	_ =	shalt  }
0x6c: {  	_ =	shalt  }
0x6d: {  	_ =	shalt  }
0x6e: {  	_ =	shalt  }
0x6f: {  	_ =	shalt  }
0x70: {  	_ =	shalt  }
0x71: {  	_ =	shalt  }
0x72: {  	_ =	shalt  }
0x73: {  	_ =	shalt  }
0x74: {  	_ =	shalt  }
0x75: {  	_ =	shalt  }
0x76: {  	_ =	shalt  }
0x77: {  	_ =	shalt  }
0x78: {  	_ =	shalt  }
0x79: {  	_ =	shalt  }
0x7a: {  	_ =	shalt  }
0x7b: {  	_ =	shalt  }
0x7c: {  	_ =	shalt  }
0x7d: {  	_ =	shalt  }
0x7e: {  	_ =	shalt  }
0x7f: {  	_ =	shalt  }
0x80: {  	_ =	shalt  }
0x81: {  	_ =	shalt  }
0x82: {  	_ =	shalt  }
0x83: {  	_ =	shalt  }
0x84: {  	_ =	shalt  }
0x85: {  	_ =	shalt  }
0x86: {  	_ =	shalt  }
0x87: {  	_ =	shalt  }
.Lfunc_end0:
.L_simem_size_0:
called_computation_lowered:
.L_overlay_start_0:
0x88: {  	s2 =	sld [smem:$0x3FD9]  }
0x89: {  	s3 =	sld [smem:$0x3FFE];
	_ =	sdelay $0x1  }
0x8a: {  	s1 =	srdreg.scid  }
0x8b: {  	s0 =	sand.u32 $0x1, s1  }
0x8c: {  	s17 =	sshll.u32 s0, $0xA;
	s2 =	sadd.s32 s3, s2  }
0x8d: {  	s2 =	sadd.s32 s2, s17  }
0x8e: {  	[smem:$0x3FC6] =	sst s2  }
0x8f: {  	_ = 	snop  }
0x90: {  	s2 =	sld [smem:$0x3FD0];
	(tm) =	ssettm $0x1  }
0x91: {  	s18 =	sld [smem:$0x3FFB];
	_ =	sdelay $0x3  }
0x92: {  	_ =	strace s18  }
0x93: {  	s3 =	sld [smem:$0x3FFC];
	_ =	sdelay $0x3  }
0x94: {  	_ =	strace s3  }
0x95: {  	s3 =	sld [smem:$0x3FFD];
	_ =	sdelay $0x3  }
0x96: {  	_ =	strace s3  }
0x97: {  	_ =	strace $0x8FFFFFFF  }
0x98: {  	s19 =	sld [smem:$0x3FDB];
	_ =	sdelay $0x1  }
0x99: {  	s4 =	simm.s32 $_scs_section_size  }
0x9a: {  	s5 =	simm.s32 $_size__tile_overlayer_lowered;
	s6 =	simm.s32 $_tile_overlayer_lowered  }
0x9b: {  	s22 =	simm.s32 $0x1BFF;
	s21 =	sshll.u32 s6, $0x1;
	s3 =	sadd.s32 s4, s19  }
0x9c: {  	s7 =	simm.s32 $0x0;
	s20 =	sshll.u32 s5, $0x1;
	s5 =	sadd.s32 s21, s3  }
0x9d: {  	[timem:s7], [sflag:s22] =	dma.local [hbm:s5], s20  }
0x9e: {  	_ =	swait.ge [sflag:s22], s20  }
0x9f: {  	s4 =	ssub.s32 $0x0, s20;
	[sflag:s22] =	ssyncset.done $0x0  }
0xa0: {  	[sflag:s22] =	ssyncadd.s32 s4;
	_ =	sdelay $0x1  }
0xa1: {  	s23 =	simm.s32 $0x1B8B  }
0xa2: {  	_ =	swait.ge [sflag:s23], $0x1  }
0xa3: {  	[sflag:s23] =	ssyncset.done $0x0  }
0xa4: {  	s25 =	simm.s32 $0x1B8E;
	s24 =	sld [smem:$0x3FFE];
	[sflag:s23] =	ssyncadd.s32 $0xFFFFFFFF  }
0xa5: {  	s26 =	simm.s32 $execute0_lowered;
	[smem:$0x3FD2] =	sst s25  }
0xa6: {  	s5 =	sshll.u32 s26, $0x1;
	_ =	strace $0x80000046;
	[dreg:$0x1] =	wrdreg $0xFFFFFFFF  }
0xa7: {  	s28 =	simm.s32 $_size_execute0_lowered;
	s3 =	sadd.s32 s3, s5;
	[dreg:$0x0] =	wrdreg $0x0  }
0xa8: {  	s5 =	sshll.u32 s28, $0x1;
	[dreg:$0x2] =	wrdreg s3  }
0xa9: {  	[dreg:$0x3] =	wrdreg s5  }
0xaa: {  	[dreg:$0x4] =	wrdreg $0xC0  }
0xab: {  	_ =	task [dreg:s7], $0x5FFFF  }
0xac: {  	[dreg:$0x1] =	wrdreg $0xFFFFFFFF  }
0xad: {  	[dreg:$0x0] =	wrdreg $0x60  }
0xae: {  	[dreg:$0x2] =	wrdreg s24  }
0xaf: {  	[dreg:$0x3] =	wrdreg s2  }
0xb0: {  	[dreg:$0x4] =	wrdreg $0x9  }
0xb1: {  	_ =	task.clear_ibuf [dreg:s7], $0x5FFFF;
	_ =	strace $0x90000046  }
0xb2: {  	s29 =	simm.s32 $0x9;
	_ =	strace $0x80000048  }
0xb3: {  	_ =	swait.ge [sflag:s29], $0x1  }
0xb4: {  	[sflag:s29] =	ssyncadd.s32 $0xFFFFFFFF  }
0xb5: {  	_ =	strace $0x90000048  }
0xb6: {  	_ =	sfence  }
0xb7: {  	s30 =	sld [smem:$0x0];
	_ =	sdelay $0x2  }
0xb8: {  	s31 =	sshll.u32 s1, $0xD;
	s1 =	sshrl.u32 s1, $0x2  }
0xb9: {  	s3 =	sand.u32 $0x4000, s31;
	s1 =	sadd.s32 s1, s30  }
0xba: {  	s0 =	sor.u32 s3, s0;
	s1 =	sshll.u32 s1, $0x11  }
0xbb: {  	s0 =	sor.u32 s1, s0  }
0xbc: {  	s0 =	sadd.s32 $0x8F2B, s0  }
0xbd: {  	[sflag:s0] =	ssyncadd.remote.s32 $0x1  }
0xbe: {  	_ =	sfence.sel $0xFFFF  }
0xbf: {  	[dreg:$0x0] =	wrdreg $0xFFFFFFFF;
	(pc) =	sbr.abs _section_cstart, $3  }
0xc0: {  	[dreg:$0x1] =	wrdreg $0xFFFFFFFF  }
0xc1: {  	_ =	task.clear_ibuf [dreg:s7], $0x2FFFF;
	_ =	strace $0x9FFFFFFF  }
0xc2: {  	(tm) =	ssettm $0x7FFFFFFF  }
0xc3: {  	_ =	shalt  }
tec
execute0_lowered:
.L_overlay_start_1:
0x0: {  	(tag) =	ssettag $0x1  }
0x1: {  	s0 =	rddreg [dreg:$0x0]  }
0x2: {  	s2 =	simm.s32 $0x0;
	s1 =	srdreg.scid;
	s10 =	stileid.u32  }
0x3: {  	s12 =	simm.s32 $0x1;
	s17 =	simm.s32 $0x10880;
	s18 =	simm.s32 $0x11080  }
.Ltmp0:
0x4: {  	s19 =	simm.s32 $0x0;
	s4 =	sand.u32 $0x1, s1;
	(pc) =	sbr.rel .LBB2_1-.Ltmp0, $4  }
0x5: {  	[smem:$0x7FF] =	sst s2;
	s3 =	sadd.s32 $0xE00, s0;
	s1 =	ssub.s32 $0x2, s4  }
0x6: {  	s6 =	sadd.s32 $0x1800, s0;
	s7 =	sadd.s32 $0x2200, s0;
	s5 =	sshrl.u32 s1, $0x1  }
0x7: {  	v0 =	vlaneseq.u32;
	s8 =	sadd.s32 $0x2C00, s0;
	s9 =	sadd.s32 $0x2E00, s0;
	s31 =	ssub.s32 s1, s5  }
0x8: {  	v2 =	vimm.f32 $0.0e+00;
	s10 =	sshll.u32 s10, $0x1;
	v1 =	vmul.u32 $0x80, v0;
	_ =	strace $0x80000047;
	s11 =	smax.u32 s31, $0x1  }
.LBB2_23:
0x9: {  	s19 =	sadd.s32 $0x1, s19  }
0xa: {  	p0 =	sne.s32 s19, s11  }
.Ltmp1:
0xb: {  	_ = 	snop;
	(pc) =	sbr.rel @!p0 .LBB2_24-.Ltmp1, $1  }
0xc: {  	_ =	sdelay $0x3  }
.LBB2_1:
0xd: {  	[tilespmem:s2], [sflag:$0x1] =	stream.linear.gather [hbm4b:s3+s2], $0x4E80, $0x38;
	[tilespmem:$0x11100] =	vst v63  }
0xe: {  	_ =	swait.ge [sflag:s12], $0x4E80  }
0xf: {  	[sflag:s12] =	ssyncset.done $0x0  }
0x10: {  	s0 =	simm.s32 $0x4E80;
	[sflag:s12] =	ssyncadd.s32 $0xFFFFB180  }
0x11: {  	[tilespmem:s0], [sflag:$0x1] =	stream.linear.gather [hbm4b:s6+s2], $0x4E80, $0x38;
	[tilespmem:$0x11100] =	vst v63  }
0x12: {  	_ =	swait.ge [sflag:s12], $0x4E80  }
0x13: {  	[sflag:s12] =	ssyncset.done $0x0  }
0x14: {  	s28 =	simm.s32 $0x9D00;
	[sflag:s12] =	ssyncadd.s32 $0xFFFFB180  }
0x15: {  	[tilespmem:s28], [sflag:$0x1] =	stream.linear.gather [hbm4b:s7+s2], $0x4E80, $0x38;
	[tilespmem:$0x11100] =	vst v63  }
0x16: {  	_ =	swait.ge [sflag:s12], $0x4E80  }
0x17: {  	[sflag:s12] =	ssyncset.done $0x0  }
0x18: {  	[sflag:s12] =	ssyncadd.s32 $0xFFFFB180  }
0x19: {  	s1 =	simm.s32 $0xEB80;
	s29 =	rddreg [dreg:$0x1]  }
0x1a: {  	[tilespmem:s1], [sflag:$0x1] =	stream.linear.gather [hbm4b:s29+s2], $0x480, $0x38;
	[tilespmem:$0x11100] =	vst v63  }
0x1b: {  	_ =	swait.ge [sflag:s12], $0x480  }
0x1c: {  	[sflag:s12] =	ssyncset.done $0x0  }
0x1d: {  	s30 =	simm.s32 $0xF000;
	[sflag:s12] =	ssyncadd.s32 $0xFFFFFB80  }
0x1e: {  	[tilespmem:s30], [sflag:$0x1] =	stream.linear.gather [hbm4b:s8+s2], $0x480, $0x38;
	[tilespmem:$0x11100] =	vst v63  }
0x1f: {  	_ =	swait.ge [sflag:s12], $0x480  }
0x20: {  	[sflag:s12] =	ssyncset.done $0x0  }
0x21: {  	[sflag:s12] =	ssyncadd.s32 $0xFFFFFB80  }
0x22: {  	[tilespmem:$0x10880] =	vst v2  }
0x23: {  	[tilespmem:$0x10900] =	vst v2  }
0x24: {  	[tilespmem:$0x10980] =	vst v2  }
0x25: {  	[tilespmem:$0x10A00] =	vst v2  }
0x26: {  	[tilespmem:$0x10A80] =	vst v2  }
0x27: {  	[tilespmem:$0x10B00] =	vst v2  }
0x28: {  	[tilespmem:$0x10B80] =	vst v2  }
0x29: {  	[tilespmem:$0x10C00] =	vst v2  }
0x2a: {  	[tilespmem:$0x10C80] =	vst v2  }
0x2b: {  	[tilespmem:$0x10D00] =	vst v2  }
0x2c: {  	[tilespmem:$0x10D80] =	vst v2  }
0x2d: {  	[tilespmem:$0x10E00] =	vst v2  }
0x2e: {  	[tilespmem:$0x10E80] =	vst v2  }
0x2f: {  	[tilespmem:$0x10F00] =	vst v2  }
0x30: {  	[tilespmem:$0x10F80] =	vst v2  }
0x31: {  	s31 =	simm.s32 $0x0;
	[tilespmem:$0x11000] =	vst v2  }
0x32: {  	v4 =	vld [tilespmem:s31+$0x9D00];
	_ =	sdelay $0x3  }
0x33: {  	v3 =	vimm.f32 $0.0e+00;
	s0 =	simm.s32 $0x40  }
.LBB2_2:
0x34: {  	s1 =	sshra.s32 s0, $0x2;
	p0 =	sne.s32 s0, $0x4E00;
	s0 =	sadd.s32 $0x40, s0;
	v3 =	vadd.f32 v4, v3  }
.Ltmp2:
0x35: {  	v4 =	vld [tilespmem:s1+$0x9D00];
	(pc) =	sbr.rel @p0 .LBB2_2-.Ltmp2, $1  }
0x36: {  	_ =	sdelay $0x3  }
0x37: {  	s0 =	simm.s32 $0x0  }
0x38: {  	v3 =	vadd.f32 v4, v3;
	v5 =	vimm.f32 $0.0e+00;
	s1 =	simm.s32 $0x40;
	v4 =	vimm.f32 $0.0e+00;
	v6 =	vld [tilespmem:s0+$0xB090]  }
.LBB2_4:
0x39: {  	p0 =	sne.s32 s1, $0x4E00  }
.Ltmp3:
0x3a: {  	_ = 	snop;
	(pc) =	sbr.rel @p0 .LBB2_4-.Ltmp3, $3  }
0x3b: {  	_ =	sdelay $0x1  }
0x3c: {  	s5 =	sshra.s32 s1, $0x2;
	s1 =	sadd.s32 $0x40, s1;
	v4 =	vadd.f32 v6, v4  }
0x3d: {  	v6 =	vld [tilespmem:s5+$0xB090]  }
0x3e: {  	_ =	sdelay $0x3  }
0x3f: {  	s1 =	simm.s32 $0x40;
	v4 =	vadd.f32 v6, v4;
	v6 =	vld [tilespmem:s0+$0xC420]  }
.LBB2_6:
0x40: {  	p0 =	sne.s32 s1, $0x4E00  }
.Ltmp4:
0x41: {  	_ = 	snop;
	(pc) =	sbr.rel @p0 .LBB2_6-.Ltmp4, $3  }
0x42: {  	_ =	sdelay $0x1  }
0x43: {  	s0 =	sshra.s32 s1, $0x2;
	s1 =	sadd.s32 $0x40, s1;
	v5 =	vadd.f32 v6, v5  }
0x44: {  	v6 =	vld [tilespmem:s0+$0xC420]  }
0x45: {  	_ =	sdelay $0x2  }
0x46: {  	s1 =	simm.s32 $0x0  }
0x47: {  	s0 =	simm.s32 $0x40;
	v7 =	vld [tilespmem:s1+$0xD7B0];
	v5 =	vadd.f32 v6, v5;
	v6 =	vimm.f32 $0.0e+00  }
.LBB2_8:
0x48: {  	p0 =	sne.s32 s0, $0x4E00  }
.Ltmp5:
0x49: {  	_ = 	snop;
	(pc) =	sbr.rel @p0 .LBB2_8-.Ltmp5, $3  }
0x4a: {  	_ =	sdelay $0x1  }
0x4b: {  	s1 =	sshra.s32 s0, $0x2;
	s0 =	sadd.s32 $0x40, s0;
	v6 =	vadd.f32 v7, v6  }
0x4c: {  	v7 =	vld [tilespmem:s1+$0xD7B0]  }
0x4d: {  	_ =	sdelay $0x2  }
0x4e: {  	(xrf2) =	vadd.scan.msk.f32 $0xffff, v3  }
0x4f: {  	(xrf2) =	vadd.scan.msk.f32 $0xffff, v4;
	v3 =	vadd.f32 v7, v6  }
0x50: {  	(xrf2) =	vadd.scan.msk.f32 $0xffff, v5  }
0x51: {  	(xrf2) =	vadd.scan.msk.f32 $0xffff, v3;
	_ =	sdelay $0x6  }
0x52: {  	v3, _, _ =	vpop (xrf2)  }
0x53: {  	v4, _, _ =	vpop (xrf2);
	(v2sf) =	vpush v3, $0xF  }
0x54: {  	v3, _, _ =	vpop (xrf2);
	(v2sf) =	vpush v4, $0xF  }
0x55: {  	(v2sf) =	vpush v3, $0xF;
	v3, _, _ =	vpop (xrf2)  }
0x56: {  	(v2sf) =	vpush v3, $0xF;
	_ =	sdelay $0xa  }
.Ltmp6:
0x57: {  	_ = 	snop;
	(pc) =	sbr.rel .LBB2_10-.Ltmp6, $4  }
0x58: {  	s20 =	spop (v2sf)  }
0x59: {  	s21 =	spop (v2sf)  }
0x5a: {  	s22 =	spop (v2sf)  }
0x5b: {  	s24 =	simm.s32 $0x0;
	s23 =	spop (v2sf)  }
.LBB2_22:
0x5c: {  	s24 =	sadd.s32 $0x1, s24  }
0x5d: {  	p0 =	sne.s32 s24, $0x9  }
.Ltmp7:
0x5e: {  	_ = 	snop;
	(pc) =	sbr.rel @!p0 .LBB2_23-.Ltmp7, $1  }
0x5f: {  	_ =	sdelay $0x3  }
.LBB2_10:
0x60: {  	s0 =	sshll.u32 s24, $0x5  }
0x61: {  	s0 =	sor.u32 s10, s0  }
0x62: {  	p0 =	sgt.u32 s0, $0x113  }
.Ltmp8:
0x63: {  	_ = 	snop;
	(pc) =	sbr.rel @p0 .LBB2_22-.Ltmp8, $1  }
0x64: {  	_ =	sdelay $0x3  }
0x65: {  	s25 =	sor.u32 s4, s0  }
0x66: {  	s1 =	simm.s32 $0x1;
	p0 =	sgt.u32 s25, $0x44  }
0x67: {  	s1 =	simm.s32 @!p0 $0x0;
	p0 =	sgt.u32 s0, $0x89;
	s0 =	simm.s32 $0x1  }
0x68: {  	s5 =	simm.s32 $0x1;
	s0 =	simm.s32 @!p0 $0x0  }
0x69: {  	p0 =	sgt.u32 s25, $0xCE;
	s13 =	sadd.s32 s0, s1;
	s1 =	smul.u32 $0x4E40, s1  }
0x6a: {  	s5 =	simm.s32 @!p0 $0x0;
	s0 =	smul.u32 $0x4E40, s0  }
0x6b: {  	s13 =	sadd.s32 s5, s13;
	s5 =	smul.u32 $0x4E40, s5  }
0x6c: {  	s15 =	smul.u32 $0xFFFFFBB, s13  }
0x6d: {  	s14 =	smov.u32 s23;
	s28 =	smul.u32 $0x1390, s13  }
0x6e: {  	p0 =	seq.s32 s13, $0x2;
	p1 =	seq.s32 s13, $0x1;
	s29 =	smul.u32 $0x4E40, s13  }
0x6f: {  	s0 =	sadd.s32 s0, s1;
	s14 =	smov.u32 @p0 s22;
	p0 =	seq.s32 s13, $0x0  }
0x70: {  	s13 =	sshll.u32 s13, $0x6;
	s0 =	sadd.s32 s5, s0;
	s14 =	smov.u32 @p1 s21  }
0x71: {  	s15 =	sadd.s32 s25, s15;
	s1 =	sshrl.u32 s29, $0x2;
	s14 =	smov.u32 @p0 s20  }
0x72: {  	s31 =	sand.u32 $0x70, s28;
	s26 =	smul.f32 $5.000000070e-02, s14;
	s14 =	sadd.s32 $0x9D40, s1  }
0x73: {  	s16 =	sand.u32 $0x3FE00, s29;
	s28 =	sadd.s32 $0x1380, s28;
	s0 =	sshrl.u32 s0, $0x2;
	v12 =	vmov s14  }
0x74: {  	s30 =	sshll.u32 s15, $0x4;
	s13 =	sor.u32 s13, s16;
	s0 =	sadd.s32 $0x9D00, s0  }
0x75: {  	v3 =	vimm.f32 $0.0e+00;
	s29 =	sadd.s32 $0x40, s1;
	s13 =	sshrl.u32 s13, $0x2;
	s1 =	sadd.s32 $0x4EC0, s1;
	v13 =	vmov s0  }
0x76: {  	s28 =	sand.u32 $0x1FF80, s28;
	v6 =	vld [tilespmem:s30+$0xEB80];
	v9 =	vmov s29;
	s15 =	sadd.s32 $0x9D00, s13;
	s16 =	sadd.s32 $0x4E80, s13;
	v5 =	vmov s13;
	v11 =	vmov s1  }
0x77: {  	v10 =	vld [tilespmem:s30+$0xF000];
	s30 =	sor.u32 s31, s28;
	s31 =	simm.s32 $0x0;
	v4 =	vmov s26;
	v7 =	vmov s16;
	v8 =	vmov s15  }
.LBB2_12:
0x78: {  	_ = 	snop  }
0x79: {  	v14 =	vmov s31  }
0x7a: {  	vm0 =	veq.s32 v14, v0  }
0x7b: {  	v14 =	vnsel vm0, $0x0, v6  }
0x7c: {  	(xrf2) =	vadd.scan.msk.f32 $0xffff, v14  }
0x7d: {  	v14 =	vnsel vm0, $0x0, v10  }
0x7e: {  	(xrf2) =	vadd.scan.msk.f32 $0xffff, v14  }
0x7f: {  	s0 =	simm.s32 $0x0  }
0x80: {  	v16 =	vld.idx.msk [tilespmem:v11+s0+$0x30 ss:$0x1], $0xffff  }
0x81: {  	v17 =	vld.idx.msk [tilespmem:v11+s0+$0xFFFFFFF0 ss:$0x1], $0xffff  }
0x82: {  	v18 =	vld.idx.msk [tilespmem:v11+s0+$0xFFFFFFD0 ss:$0x1], $0xffff  }
0x83: {  	v19 =	vld.idx.msk [tilespmem:v9+s0+$0x30 ss:$0x1], $0xffff  }
0x84: {  	v21 =	vld.idx.msk [tilespmem:v9+s0+$0x10 ss:$0x1], $0xffff  }
0x85: {  	v22 =	vld.idx.msk [tilespmem:v9+s0+$0xFFFFFFD0 ss:$0x1], $0xffff  }
0x86: {  	v23 =	vld.idx.msk [tilespmem:v9+s0+$0xFFFFFFF0 ss:$0x1], $0xffff;
	v15, _, _ =	vpop (xrf2)  }
0x87: {  	v20 =	vld.idx.msk [tilespmem:v11+s0+$0x10 ss:$0x1], $0xffff;
	v15 =	vbroadcast v15, $0xF  }
0x88: {  	v25 =	vld.idx.msk [tilespmem:v11+s0+$0xFFFFFFE0 ss:$0x1], $0xffff;
	v14, _, _ =	vpop (xrf2)  }
0x89: {  	v28 =	vld.idx.msk [tilespmem:v11+s0+$0x0 ss:$0x1], $0xffff;
	v14 =	vbroadcast v14, $0xF;
	v19 =	vsub.f32 v19, v15  }
0x8a: {  	v24 =	vld.idx.msk [tilespmem:v5+s0+$0x0 ss:$0x1], $0xffff;
	v21 =	vsub.f32 v21, v15;
	v22 =	vsub.f32 v22, v15  }
0x8b: {  	v26 =	vld.idx.msk [tilespmem:v7+s0+$0x0 ss:$0x1], $0xffff;
	v23 =	vsub.f32 v23, v15;
	v16 =	vsub.f32 v16, v14  }
0x8c: {  	v31 =	vld.idx.msk [tilespmem:v9+s0+$0x0 ss:$0x1], $0xffff;
	v18 =	vsub.f32 v18, v14;
	v17 =	vsub.f32 v17, v14  }
0x8d: {  	v27 =	vsub.f32 v25, v14;
	v25 =	vld.idx.msk [tilespmem:v11+s0+$0x20 ss:$0x1], $0xffff;
	v19 =	vmul.f32 v19, v19;
	v16 =	vmul.f32 v16, v16  }
0x8e: {  	v20 =	vsub.f32 v20, v14;
	v28 =	vsub.f32 v28, v14;
	v23 =	vmul.f32 v23, v23  }
0x8f: {  	v36 =	vmul.f32 v21, v21;
	v29 =	vmul.f32 v17, v17;
	v17 =	vadd.f32 v16, v19;
	v19 =	vld.idx.msk [tilespmem:v9+s0+$0x20 ss:$0x1], $0xffff  }
0x90: {  	v21 =	vld.idx.msk [tilespmem:v9+s0+$0xFFFFFFE0 ss:$0x1], $0xffff;
	v18 =	vmul.f32 v18, v18;
	v16 =	vmul.f32 v22, v22;
	v22 =	vsub.f32 v24, v15  }
0x91: {  	v37 =	vmul.f32 v20, v20;
	v24 =	vsub.f32 v26, v14;
	v30 =	vadd.f32 v29, v23  }
0x92: {  	v32 =	vmul.f32 v28, v28;
	v28 =	vld.idx.msk [tilespmem:v8+s0+$0x0 ss:$0x1], $0xffff;
	v29 =	vsub.f32 v31, v15;
	v35 =	vsub.f32 v25, v14  }
0x93: {  	v23 =	vld.idx.msk [tilespmem:v12+s0+$0xFFFFFFF0 ss:$0x1], $0xffff;
	v26 =	vadd.f32 v18, v16;
	v20 =	vmul.f32 v22, v22;
	v22 =	vadd.f32 v30, v30  }
0x94: {  	v18 =	vld.idx.msk [tilespmem:v12+s0+$0x0 ss:$0x1], $0xffff;
	v25 =	vadd.f32 v17, v17;
	v33 =	vsub.f32 v19, v15;
	v19 =	vmul.f32 v29, v29  }
0x95: {  	v24 =	vmul.f32 v24, v24;
	v34 =	vsub.f32 v21, v15;
	v31 =	vadd.f32 v26, v26;
	v29 =	vld.idx.msk [tilespmem:v12+s0+$0x10 ss:$0x1], $0xffff  }
0x96: {  	v16 =	vld.idx.msk [tilespmem:v12+s0+$0xFFFFFFD0 ss:$0x1], $0xffff;
	v35 =	vmul.f32 v35, v35;
	v21 =	vtrunc.f32 v22;
	v19 =	vadd.f32 v32, v19  }
0x97: {  	v20 =	vadd.f32 v24, v20;
	[tilespmem:s0+$0xF490] =	vst v26;
	v22 =	vld.idx.msk [tilespmem:v12+s0+$0xFFFFFFE0 ss:$0x1], $0xffff;
	v21 =	vcvt.f32.s32 v21;
	v31 =	vtrunc.f32 v31  }
0x98: {  	s5 =	simm.s32 $0x0;
	s1 =	simm.s32 $0x200;
	v32 =	vcvt.f32.s32 v31;
	v31 =	vadd.f32 v37, v36;
	[tilespmem:s0+$0xF4C0] =	vst v19;
	v26 =	vadd.f32 v19, v19;
	v19 =	vld.idx.msk [tilespmem:v12+s0+$0x30 ss:$0x1], $0xffff  }
.LBB2_13:
0x99: {  	s13 =	sshra.s32 s1, $0x2;
	s5 =	sadd.s32 $0x8, s5;
	[tilespmem:s0+$0xF4B0] =	vst v30;
	v30 =	vld.idx.msk [tilespmem:v12+s0+$0x20 ss:$0x1], $0xffff;
	v33 =	vmul.f32 v33, v33;
	v36 =	vtrunc.f32 v25;
	v25 =	vmovc v23;
	v24 =	vmov v28  }
0x9a: {  	v23 =	vld.idx.msk [tilespmem:v12+s13+$0x0 ss:$0x1], $0xffff;
	p0 =	slt.u32 s5, $0x130;
	vm1 =	vlt.s32 v32, $0xF;
	v28 =	vtrunc.f32 v26;
	[tilespmem:s0+$0xF4D0] =	vst v31;
	v36 =	vcvt.f32.s32 v36;
	v26 =	vmovc v29  }
0x9b: {  	v34 =	vmul.f32 v34, v34;
	v29 =	vld.idx.msk [tilespmem:v12+s13+$0xFFFFFFD0 ss:$0x1], $0xffff;
	v28 =	vcvt.f32.s32 v28;
	v33 =	vadd.f32 v35, v33  }
0x9c: {  	v27 =	vmul.f32 v27, v27;
	v32 =	vnsel vm1, $0xF, v32;
	v35 =	vld.idx.msk [tilespmem:v11+s13+$0x30 ss:$0x1], $0xffff;
	vm1 =	vlt.s32 v36, $0xF  }
0x9d: {  	v37 =	vld.idx.msk [tilespmem:v11+s13+$0xFFFFFFF0 ss:$0x1], $0xffff;
	vm2 =	vlt.s32 v28, $0xF;
	[tilespmem:s0+$0xF4E0] =	vst v33;
	v33 =	vadd.f32 v33, v33;
	v36 =	vnsel vm1, $0xF, v36  }
0x9e: {  	v27 =	vadd.f32 v27, v34;
	v32 =	vadd.s32 v1, v32;
	v38 =	vld.idx.msk [tilespmem:v11+s13+$0xFFFFFFD0 ss:$0x1], $0xffff;
	v28 =	vnsel vm2, $0xF, v28  }
0x9f: {  	v31 =	vadd.f32 v31, v31;
	v34 =	vld.idx.msk [tilespmem:v9+s13+$0x30 ss:$0x1], $0xffff;
	v28 =	vadd.s32 v1, v28;
	v33 =	vtrunc.f32 v33  }
0xa0: {  	v39 =	vld.idx.msk [tilespmem:v9+s13+$0x20 ss:$0x1], $0xffff;
	[tilespmem:s0+$0xF4A0] =	vst v27;
	v27 =	vadd.f32 v27, v27;
	v33 =	vcvt.f32.s32 v33  }
0xa1: {  	v31 =	vtrunc.f32 v31;
	v40 =	vld.idx.msk [tilespmem:v11+s13+$0x10 ss:$0x1], $0xffff  }
0xa2: {  	v35 =	vsub.f32 v35, v14;
	v41 =	vld.idx.msk [tilespmem:v9+s13+$0x10 ss:$0x1], $0xffff;
	v27 =	vtrunc.f32 v27;
	vm1 =	vlt.s32 v33, $0xF  }
0xa3: {  	v31 =	vcvt.f32.s32 v31;
	v42 =	vld.idx.msk [tilespmem:v7+s13+$0x0 ss:$0x1], $0xffff;
	v27 =	vcvt.f32.s32 v27  }
0xa4: {  	v38 =	vsub.f32 v38, v14;
	v33 =	vnsel vm1, $0xF, v33;
	v43 =	vld.idx.msk [tilespmem:v9+s13+$0xFFFFFFD0 ss:$0x1], $0xffff  }
0xa5: {  	v34 =	vsub.f32 v34, v15;
	v33 =	vadd.s32 v1, v33;
	v44 =	vld.idx.msk [tilespmem:v5+s13+$0x0 ss:$0x1], $0xffff;
	vm1 =	vlt.s32 v27, $0xF  }
0xa6: {  	v35 =	vmul.f32 v35, v35;
	v45 =	vld.idx.msk [tilespmem:v9+s13+$0xFFFFFFF0 ss:$0x1], $0xffff;
	v27 =	vnsel vm1, $0xF, v27;
	vm1 =	vlt.s32 v31, $0xF  }
0xa7: {  	v37 =	vsub.f32 v37, v14;
	v34 =	vmul.f32 v34, v34;
	v46 =	vld.idx.msk [tilespmem:v11+s13+$0xFFFFFFE0 ss:$0x1], $0xffff;
	v27 =	vadd.s32 v1, v27  }
0xa8: {  	v36 =	vadd.s32 v1, v36;
	v40 =	vsub.f32 v40, v14;
	v41 =	vsub.f32 v41, v15;
	v47 =	vld.idx.msk [tilespmem:v11+s13+$0x0 ss:$0x1], $0xffff  }
0xa9: {  	v48 =	vadd.f32 v20, v20;
	v37 =	vmul.f32 v37, v37;
	[tilespmem:v28+s17+$0x0] =	vst.idx.add.f32.msk $0xffff, v18;
	v28 =	vnsel vm1, $0xF, v31  }
0xaa: {  	v34 =	vadd.f32 v35, v34;
	v31 =	vsub.f32 v43, v15;
	vm1 =	vlt.s32 v21, $0xF;
	v18 =	vmovc v23;
	v43 =	vld.idx.msk [tilespmem:v9+s13+$0x0 ss:$0x1], $0xffff  }
0xab: {  	v41 =	vmul.f32 v41, v41;
	v23 =	vtrunc.f32 v48;
	v35 =	vsub.f32 v44, v15;
	[tilespmem:v33+s17+$0x0] =	vst.idx.add.f32.msk $0xffff, v30  }
0xac: {  	v30 =	vmul.f32 v31, v31;
	v31 =	vsub.f32 v45, v15;
	v33 =	vcvt.f32.s32 v23;
	[tilespmem:v27+s17+$0x0] =	vst.idx.add.f32.msk $0xffff, v22  }
0xad: {  	v22 =	vmul.f32 v38, v38;
	v27 =	vsub.f32 v46, v14;
	v38 =	vld.idx.msk [tilespmem:v9+s13+$0xFFFFFFE0 ss:$0x1], $0xffff;
	[tilespmem:s0+$0xF480] =	vst v20;
	v20 =	vnsel vm1, $0xF, v21  }
0xae: {  	v21 =	vmul.f32 v31, v31;
	v31 =	vsub.f32 v47, v14;
	vm1 =	vlt.s32 v33, $0xF;
	v23 =	vld.idx.msk [tilespmem:v12+s13+$0xFFFFFFF0 ss:$0x1], $0xffff;
	[tilespmem:s0+$0xF4F0] =	vst v17;
	s0 =	smov.u32 s13  }
0xaf: {  	v17 =	vsub.f32 v42, v14;
	v22 =	vadd.f32 v22, v30;
	v20 =	vadd.s32 v1, v20;
	v42 =	vld.idx.msk [tilespmem:v11+s0+$0x20 ss:$0x1], $0xffff  }
0xb0: {  	v30 =	vadd.f32 v37, v21;
	v21 =	vnsel vm1, $0xF, v33;
	v37 =	vadd.s32 v1, v28;
	[tilespmem:v36+s17+$0x0] =	vst.idx.add.f32.msk $0xffff, v19  }
0xb1: {  	v43 =	vsub.f32 v43, v15;
	v19 =	vmul.f32 v17, v17;
	v21 =	vadd.s32 v1, v21;
	v28 =	vld.idx.msk [tilespmem:v8+s0+$0x0 ss:$0x1], $0xffff  }
0xb2: {  	v40 =	vmul.f32 v40, v40;
	v36 =	vadd.f32 v22, v22;
	[tilespmem:v32+s17+$0x0] =	vst.idx.add.f32.msk $0xffff, v16;
	v16 =	vmov v29  }
0xb3: {  	v33 =	vsub.f32 v39, v15;
	v32 =	vmul.f32 v35, v35;
	v35 =	vadd.f32 v30, v30;
	v29 =	vld.idx.msk [tilespmem:v12+s0+$0x10 ss:$0x1], $0xffff  }
.Ltmp9:
0xb4: {  	v31 =	vmul.f32 v31, v31;
	v39 =	vmul.f32 v43, v43;
	v17 =	vmov v34;
	[tilespmem:v20+s17+$0x0] =	vst.idx.add.f32.msk $0xffff, v25;
	(pc) =	sbr.rel @p0 .LBB2_13-.Ltmp9, $4  }
0xb5: {  	v36 =	vtrunc.f32 v36;
	v42 =	vsub.f32 v42, v14;
	v25 =	vadd.f32 v34, v17;
	[tilespmem:v37+s17+$0x0] =	vst.idx.add.f32.msk $0xffff, v26  }
0xb6: {  	v31 =	vadd.f32 v31, v39;
	v34 =	vsub.f32 v38, v15;
	v26 =	vtrunc.f32 v35;
	[tilespmem:v21+s17+$0x0] =	vst.idx.add.f32.msk $0xffff, v24  }
0xb7: {  	v20 =	vadd.f32 v19, v32;
	v21 =	vcvt.f32.s32 v26;
	v35 =	vmul.f32 v42, v42;
	[tilespmem:s0+$0xF490] =	vst v22;
	v22 =	vld.idx.msk [tilespmem:v12+s0+$0xFFFFFFE0 ss:$0x1], $0xffff  }
0xb8: {  	s1 =	sadd.s32 $0x200, s1;
	v32 =	vcvt.f32.s32 v36;
	v26 =	vadd.f32 v31, v31;
	[tilespmem:s0+$0xF4C0] =	vst v31;
	v31 =	vadd.f32 v40, v41;
	v19 =	vld.idx.msk [tilespmem:v12+s0+$0x30 ss:$0x1], $0xffff  }
0xb9: {  	v24 =	vmul.f32 v33, v33  }
0xba: {  	v54 =	vmul.f32 v34, v34;
	v27 =	vmul.f32 v27, v27  }
0xbb: {  	v26 =	vtrunc.f32 v26;
	v24 =	vadd.f32 v35, v24  }
0xbc: {  	v27 =	vadd.f32 v27, v54;
	v26 =	vcvt.f32.s32 v26  }
0xbd: {  	v57 =	vadd.f32 v31, v31;
	v55 =	vadd.f32 v24, v24  }
0xbe: {  	v25 =	vtrunc.f32 v25;
	[tilespmem:s0+$0xF4B0] =	vst v30;
	v56 =	vadd.f32 v27, v27;
	vm1 =	vlt.s32 v26, $0xF  }
0xbf: {  	v30 =	vld.idx.msk [tilespmem:v12+s0+$0x20 ss:$0x1], $0xffff;
	[tilespmem:s0+$0xF4E0] =	vst v24;
	v24 =	vtrunc.f32 v57;
	v26 =	vnsel vm1, $0xF, v26;
	v33 =	vtrunc.f32 v55  }
0xc0: {  	v24 =	vcvt.f32.s32 v24;
	v26 =	vadd.s32 v1, v26;
	v33 =	vcvt.f32.s32 v33  }
0xc1: {  	v58 =	vadd.f32 v20, v20;
	v25 =	vcvt.f32.s32 v25;
	v34 =	vtrunc.f32 v56  }
0xc2: {  	v34 =	vcvt.f32.s32 v34;
	vm2 =	vlt.s32 v24, $0xF;
	vm1 =	vlt.s32 v33, $0xF  }
0xc3: {  	[tilespmem:s0+$0xF4A0] =	vst v27;
	v27 =	vtrunc.f32 v58;
	v24 =	vnsel vm2, $0xF, v24;
	v33 =	vnsel vm1, $0xF, v33  }
0xc4: {  	[tilespmem:s0+$0xF480] =	vst v20;
	v20 =	vadd.s32 v1, v24;
	vm1 =	vlt.s32 v34, $0xF;
	v33 =	vadd.s32 v1, v33  }
0xc5: {  	v34 =	vnsel vm1, $0xF, v34;
	vm1 =	vlt.s32 v32, $0xF;
	[tilespmem:v26+s17+$0x0] =	vst.idx.add.f32.msk $0xffff, v18;
	v18 =	vcvt.f32.s32 v27  }
0xc6: {  	[tilespmem:s0+$0xF4D0] =	vst v31;
	v31 =	vadd.s32 v1, v34;
	v32 =	vnsel vm1, $0xF, v32;
	vm1 =	vlt.s32 v25, $0xF  }
0xc7: {  	v25 =	vnsel vm1, $0xF, v25;
	vm1 =	vlt.s32 v21, $0xF;
	v26 =	vadd.s32 v1, v32  }
0xc8: {  	[tilespmem:s0+$0xF4F0] =	vst v17;
	v25 =	vadd.s32 v1, v25;
	v21 =	vnsel vm1, $0xF, v21;
	vm1 =	vlt.s32 v18, $0xF  }
0xc9: {  	[tilespmem:v20+s17+$0x0] =	vst.idx.add.f32.msk $0xffff, v29;
	v21 =	vadd.s32 v1, v21;
	v18 =	vnsel vm1, $0xF, v18  }
0xca: {  	[tilespmem:v33+s17+$0x0] =	vst.idx.add.f32.msk $0xffff, v30;
	v17 =	vadd.s32 v1, v18  }
0xcb: {  	[tilespmem:v31+s17+$0x0] =	vst.idx.add.f32.msk $0xffff, v22  }
0xcc: {  	[tilespmem:v26+s17+$0x0] =	vst.idx.add.f32.msk $0xffff, v16  }
0xcd: {  	[tilespmem:v25+s17+$0x0] =	vst.idx.add.f32.msk $0xffff, v19  }
0xce: {  	[tilespmem:v21+s17+$0x0] =	vst.idx.add.f32.msk $0xffff, v23  }
0xcf: {  	[tilespmem:v17+s17+$0x0] =	vst.idx.add.f32.msk $0xffff, v28  }
0xd0: {  	v16 =	vld [tilespmem:s30+$0x0]  }
0xd1: {  	v17 =	vld [tilespmem:s30+$0x4E80];
	_ =	sdelay $0x4  }
0xd2: {  	v15 =	vsub.f32 v16, v15;
	v14 =	vsub.f32 v17, v14;
	_ =	sdelay $0x1  }
0xd3: {  	v15 =	vmul.f32 v15, v15;
	v14 =	vmul.f32 v14, v14;
	_ =	sdelay $0x1  }
0xd4: {  	v14 =	vadd.f32 v14, v15;
	_ =	sdelay $0x1  }
0xd5: {  	v15 =	vadd.f32 v14, v14;
	_ =	sdelay $0x1  }
0xd6: {  	v15 =	vtrunc.f32 v15  }
0xd7: {  	v15 =	vcvt.f32.s32 v15;
	_ =	sdelay $0x1  }
0xd8: {  	vm1 =	vlt.s32 v15, $0xF  }
0xd9: {  	v15 =	vnsel vm1, $0xF, v15  }
0xda: {  	v16 =	vld [tilespmem:s30+$0x9D00];
	v15 =	vadd.s32 v1, v15;
	_ =	sdelay $0x3  }
0xdb: {  	[tilespmem:$0x10800] =	vst v14  }
0xdc: {  	[tilespmem:v15+s17+$0x0] =	vst.idx.add.f32.msk $0xffff, v16  }
0xdd: {  	v14 =	vld [tilespmem:$0x10880]  }
0xde: {  	v15 =	vld [tilespmem:$0x10900];
	_ =	sdelay $0x1  }
0xdf: {  	v16 =	vld [tilespmem:$0x10980];
	_ =	sdelay $0x1  }
0xe0: {  	v17 =	vld [tilespmem:$0x10A00]  }
0xe1: {  	v14 =	vadd.f32 v15, v14  }
0xe2: {  	v15 =	vld [tilespmem:$0x10A80]  }
0xe3: {  	v14 =	vadd.f32 v16, v14  }
0xe4: {  	v16 =	vld [tilespmem:$0x10B00]  }
0xe5: {  	v14 =	vadd.f32 v17, v14  }
0xe6: {  	v17 =	vld [tilespmem:$0x10B80]  }
0xe7: {  	v14 =	vadd.f32 v15, v14  }
0xe8: {  	v15 =	vld [tilespmem:$0x10C00]  }
0xe9: {  	v14 =	vadd.f32 v16, v14  }
0xea: {  	v16 =	vld [tilespmem:$0x10C80]  }
0xeb: {  	v14 =	vadd.f32 v17, v14  }
0xec: {  	v17 =	vld [tilespmem:$0x10D00]  }
0xed: {  	v14 =	vadd.f32 v15, v14  }
0xee: {  	v15 =	vld [tilespmem:$0x10D80]  }
0xef: {  	v14 =	vadd.f32 v16, v14  }
0xf0: {  	v16 =	vld [tilespmem:$0x10E00]  }
0xf1: {  	v14 =	vadd.f32 v17, v14  }
0xf2: {  	v17 =	vld [tilespmem:$0x10E80]  }
0xf3: {  	v14 =	vadd.f32 v15, v14  }
0xf4: {  	v15 =	vld [tilespmem:$0x10F00]  }
0xf5: {  	v14 =	vadd.f32 v16, v14  }
0xf6: {  	v16 =	vld [tilespmem:$0x10F80]  }
0xf7: {  	v14 =	vadd.f32 v17, v14  }
0xf8: {  	v17 =	vld [tilespmem:$0x11000]  }
0xf9: {  	v14 =	vadd.f32 v15, v14;
	_ =	sdelay $0x1  }
0xfa: {  	v14 =	vadd.f32 v16, v14;
	_ =	sdelay $0x1  }
0xfb: {  	v14 =	vadd.f32 v17, v14;
	_ =	sdelay $0x1  }
0xfc: {  	(xrf2) =	vadd.scan.msk.f32 $0xffff, v14;
	_ =	sdelay $0x9  }
0xfd: {  	v14, _, _ =	vpop (xrf2)  }
0xfe: {  	vm1 =	vlt.f32 v14, v4  }
0xff: {  	v15 =	vsel vm1, $0x3F800000, v2  }
0x100: {  	(xrf2) =	vadd.scan.msk.f32 $0xffff, v15;
	_ =	sdelay $0x9  }
0x101: {  	v15, _, _ =	vpop (xrf2)  }
0x102: {  	[tilespmem:$0x10880] =	vst v2;
	(v2sf) =	vpush v15, $0xF  }
0x103: {  	[tilespmem:$0x10900] =	vst v2  }
0x104: {  	[tilespmem:$0x10980] =	vst v2  }
0x105: {  	[tilespmem:$0x10A00] =	vst v2  }
0x106: {  	[tilespmem:$0x10A80] =	vst v2  }
0x107: {  	[tilespmem:$0x10B00] =	vst v2  }
0x108: {  	[tilespmem:$0x10B80] =	vst v2  }
0x109: {  	[tilespmem:$0x10C00] =	vst v2  }
0x10a: {  	[tilespmem:$0x10C80] =	vst v2  }
0x10b: {  	[tilespmem:$0x10D00] =	vst v2  }
0x10c: {  	[tilespmem:$0x10D80] =	vst v2  }
0x10d: {  	[tilespmem:$0x10E00] =	vst v2  }
0x10e: {  	[tilespmem:$0x10E80] =	vst v2  }
0x10f: {  	[tilespmem:$0x10F00] =	vst v2  }
0x110: {  	[tilespmem:$0x10F80] =	vst v2  }
0x111: {  	s1 =	simm.s32 $0xF4C0;
	[tilespmem:$0x11000] =	vst v2;
	s28 =	spop (v2sf)  }
0x112: {  	v16 =	vld [tilespmem:s1+$0x30];
	s0 =	smul.f32 $5.000000000e-01, s28  }
0x113: {  	v17 =	vld [tilespmem:s1+$0xFFFFFFC0]  }
0x114: {  	v18 =	vld [tilespmem:s1+$0xFFFFFFD0];
	s5 =	sadd.f32 $0.0e+00, s0  }
0x115: {  	v19 =	vld [tilespmem:s1+$0xFFFFFFE0]  }
0x116: {  	v20 =	vld [tilespmem:s1+$0xFFFFFFF0];
	v15 =	vmov s5  }
0x117: {  	v21 =	vld [tilespmem:s1+$0x0];
	v16 =	vsub.f32 v16, v15  }
0x118: {  	v22 =	vld [tilespmem:s1+$0x10];
	v17 =	vsub.f32 v17, v15  }
0x119: {  	v18 =	vsub.f32 v18, v15;
	v16 =	vmul.f32 $3.200000000e+01, v16  }
0x11a: {  	v24 =	vmul.f32 $3.200000000e+01, v17;
	v17 =	vsub.f32 v19, v15  }
0x11b: {  	v23 =	vld [tilespmem:s1+$0x20];
	v19 =	vmul.f32 $3.200000000e+01, v18;
	v18 =	vsub.f32 v20, v15;
	v20 =	vtrunc.f32 v16  }
0x11c: {  	v25 =	vmul.f32 $3.200000000e+01, v17;
	v17 =	vsub.f32 v21, v15;
	v21 =	vtrunc.f32 v24  }
0x11d: {  	v26 =	vmul.f32 $3.200000000e+01, v18;
	v18 =	vsub.f32 v22, v15;
	vm3 =	vge.f32 v16, $0.0e+00  }
0x11e: {  	vm4 =	vlt.f32 v16, $1.600000000e+01;
	vm14 =	vlt.f32 v19, $1.600000000e+01;
	v20 =	vcvt.f32.s32 v20  }
0x11f: {  	v21 =	vcvt.f32.s32 v21;
	vm3 =	vmand vm3, vm4;
	v22 =	vmul.f32 $3.200000000e+01, v17  }
0x120: {  	v17 =	vsub.f32 v23, v15;
	v23 =	vtrunc.f32 v19;
	v27 =	vmul.f32 $3.200000000e+01, v18  }
0x121: {  	v29 =	vtrunc.f32 v26;
	vm15 =	vlt.f32 v25, $1.600000000e+01;
	vm10 =	vlt.f32 v26, $1.600000000e+01  }
0x122: {  	vm2 =	vgt.s32 v20, $0x0;
	v16 =	vcvt.f32.s32 v23;
	v23 =	vcvt.f32.s32 v29  }
0x123: {  	v18 =	vnsel vm2, $0x0, v20;
	v20 =	vtrunc.f32 v25;
	v28 =	vmul.f32 $3.200000000e+01, v17  }
0x124: {  	v30 =	vtrunc.f32 v22;
	vm2 =	vge.f32 v24, $0.0e+00;
	vm11 =	vlt.f32 v22, $1.600000000e+01  }
0x125: {  	vm12 =	vlt.f32 v27, $1.600000000e+01;
	v18 =	vmin.u32 v18, $0xF;
	v20 =	vcvt.f32.s32 v20  }
0x126: {  	v29 =	vcvt.f32.s32 v30;
	vm4 =	vgt.s32 v16, $0x0;
	vm6 =	vgt.s32 v23, $0x0  }
0x127: {  	v17 =	vld [tilespmem:s14+$0x30];
	v31 =	vor.u32 v1, v18;
	v18 =	vtrunc.f32 v27;
	v59 =	vtrunc.f32 v28  }
0x128: {  	v60 =	vnsel vm4, $0x0, v16;
	v62 =	vnsel vm6, $0x0, v23;
	vm4 =	vlt.f32 v24, $1.600000000e+01  }
0x129: {  	vm6 =	vge.f32 v26, $0.0e+00;
	vm13 =	vlt.f32 v28, $1.600000000e+01;
	vm5 =	vgt.s32 v20, $0x0  }
0x12a: {  	v16 =	vld [tilespmem:s14+$0xFFFFFFD0];
	vm7 =	vgt.s32 v29, $0x0;
	v26 =	vmin.u32 v62, $0xF;
	v61 =	vnsel vm5, $0x0, v20  }
0x12b: {  	v24 =	vld [tilespmem:s15+$0x0];
	v29 =	vnsel vm7, $0x0, v29;
	vm5 =	vge.f32 v22, $0.0e+00;
	vm7 =	vge.f32 v27, $0.0e+00  }
0x12c: {  	v20 =	vld [tilespmem:s14+$0x10];
	v30 =	vnsel vm3, $0x0, v17;
	vm3 =	vgt.s32 v21, $0x0;
	v17 =	vcvt.f32.s32 v18  }
0x12d: {  	v18 =	vcvt.f32.s32 v59;
	v21 =	vnsel vm3, $0x0, v21;
	vm3 =	vge.f32 v19, $0.0e+00;
	v19 =	vld [tilespmem:s14+$0x0]  }
0x12e: {  	v27 =	vmin.u32 v61, $0xF;
	v29 =	vmin.u32 v29, $0xF;
	vm8 =	vgt.s32 v17, $0x0;
	[tilespmem:v31+s17+$0x0] =	vst.idx.add.f32.msk $0xffff, v30  }
0x12f: {  	vm9 =	vgt.s32 v18, $0x0;
	v23 =	vmin.u32 v21, $0xF;
	v21 =	vld [tilespmem:s14+$0x20];
	v63 =	vnsel vm8, $0x0, v17  }
0x130: {  	s13 =	smov.u32 s14;
	v17 =	vld [tilespmem:s14+$0xFFFFFFE0];
	v36 =	vnsel vm9, $0x0, v18;
	vm9 =	vge.f32 v25, $0.0e+00;
	vm8 =	vge.f32 v28, $0.0e+00  }
0x131: {  	s29 =	smov.u32 s15;
	s1 =	simm.s32 $0xF540;
	s0 =	simm.s32 $0x0;
	v18 =	vld [tilespmem:s14+$0xFFFFFFF0];
	v28 =	vmin.u32 v60, $0xF;
	v25 =	vmin.u32 v63, $0xF;
	v22 =	vmin.u32 v36, $0xF  }
.LBB2_15:
0x132: {  	v30 =	vld [tilespmem:s1+$0x30];
	s0 =	sadd.s32 $0x8, s0;
	vm2 =	vmand vm2, vm4;
	vm3 =	vmand vm3, vm14;
	vm4 =	vmand vm9, vm15  }
0x133: {  	vm6 =	vmand vm6, vm10;
	vm5 =	vmand vm5, vm11;
	vm7 =	vmand vm7, vm12;
	v31 =	vld [tilespmem:s1+$0xFFFFFFC0];
	p0 =	slt.u32 s0, $0x130  }
0x134: {  	v23 =	vor.u32 v1, v23;
	v28 =	vor.u32 v1, v28;
	vm8 =	vmand vm8, vm13;
	v32 =	vld [tilespmem:s1+$0xFFFFFFD0]  }
0x135: {  	v27 =	vor.u32 v1, v27;
	v26 =	vor.u32 v1, v26;
	v29 =	vor.u32 v1, v29;
	v33 =	vld [tilespmem:s1+$0xFFFFFFE0]  }
0x136: {  	v25 =	vor.u32 v1, v25;
	v22 =	vor.u32 v1, v22;
	v34 =	vld [tilespmem:s1+$0xFFFFFFF0];
	v24 =	vnsel vm2, $0x0, v24  }
0x137: {  	v16 =	vnsel vm3, $0x0, v16;
	v17 =	vnsel vm4, $0x0, v17;
	v35 =	vld [tilespmem:s1+$0x0];
	v30 =	vsub.f32 v30, v15  }
0x138: {  	v18 =	vnsel vm6, $0x0, v18;
	v19 =	vnsel vm5, $0x0, v19;
	v31 =	vsub.f32 v31, v15;
	v36 =	vld [tilespmem:s1+$0x10]  }
0x139: {  	v20 =	vnsel vm7, $0x0, v20;
	v32 =	vsub.f32 v32, v15;
	v37 =	vld [tilespmem:s1+$0x20];
	v30 =	vmul.f32 $3.200000000e+01, v30  }
0x13a: {  	v31 =	vmul.f32 $3.200000000e+01, v31;
	v33 =	vsub.f32 v33, v15;
	[tilespmem:v23+s17+$0x0] =	vst.idx.add.f32.msk $0xffff, v24;
	v23 =	vnsel vm8, $0x0, v21  }
0x13b: {  	v24 =	vmul.f32 $3.200000000e+01, v32;
	v21 =	vsub.f32 v34, v15;
	v32 =	vtrunc.f32 v30;
	[tilespmem:v28+s17+$0x0] =	vst.idx.add.f32.msk $0xffff, v16  }
0x13c: {  	v28 =	vmul.f32 $3.200000000e+01, v33;
	v16 =	vsub.f32 v35, v15;
	v32 =	vcvt.f32.s32 v32;
	[tilespmem:v27+s17+$0x0] =	vst.idx.add.f32.msk $0xffff, v17  }
0x13d: {  	v27 =	vtrunc.f32 v31;
	v33 =	vmul.f32 $3.200000000e+01, v21;
	v17 =	vsub.f32 v36, v15;
	[tilespmem:v26+s17+$0x0] =	vst.idx.add.f32.msk $0xffff, v18  }
0x13e: {  	v26 =	vmul.f32 $3.200000000e+01, v16;
	v16 =	vsub.f32 v37, v15;
	vm2 =	vgt.s32 v32, $0x0;
	[tilespmem:v29+s17+$0x0] =	vst.idx.add.f32.msk $0xffff, v19  }
0x13f: {  	s13 =	sadd.s32 $0x80, s13;
	v19 =	vtrunc.f32 v24;
	v29 =	vmul.f32 $3.200000000e+01, v17;
	v17 =	vnsel vm2, $0x0, v32;
	[tilespmem:v25+s17+$0x0] =	vst.idx.add.f32.msk $0xffff, v20  }
0x140: {  	v20 =	vtrunc.f32 v28;
	v25 =	vmul.f32 $3.200000000e+01, v16;
	v21 =	vld [tilespmem:s13+$0x30];
	v17 =	vmin.u32 v17, $0xF  }
0x141: {  	v32 =	vtrunc.f32 v33;
	v34 =	vtrunc.f32 v26;
	v16 =	vld [tilespmem:s13+$0xFFFFFFD0];
	v35 =	vor.u32 v1, v17  }
0x142: {  	vm2 =	vge.f32 v31, $0.0e+00;
	v36 =	vtrunc.f32 v29;
	v17 =	vld [tilespmem:s13+$0xFFFFFFE0];
	v37 =	vtrunc.f32 v25  }
0x143: {  	vm3 =	vge.f32 v30, $0.0e+00;
	vm4 =	vlt.f32 v30, $1.600000000e+01;
	v27 =	vcvt.f32.s32 v27;
	v18 =	vld [tilespmem:s13+$0xFFFFFFF0]  }
0x144: {  	vm3 =	vmand vm3, vm4;
	v30 =	vcvt.f32.s32 v19;
	v38 =	vcvt.f32.s32 v20;
	v19 =	vld [tilespmem:s13+$0x0]  }
0x145: {  	v32 =	vcvt.f32.s32 v32;
	v34 =	vcvt.f32.s32 v34;
	v20 =	vld [tilespmem:s13+$0x10];
	v21 =	vnsel vm3, $0x0, v21  }
0x146: {  	v36 =	vcvt.f32.s32 v36;
	v37 =	vcvt.f32.s32 v37;
	vm3 =	vgt.s32 v27, $0x0;
	[tilespmem:v35+s17+$0x0] =	vst.idx.add.f32.msk $0xffff, v21  }
0x147: {  	vm4 =	vgt.s32 v30, $0x0;
	vm5 =	vgt.s32 v38, $0x0;
	vm6 =	vgt.s32 v32, $0x0;
	v21 =	vld [tilespmem:s13+$0x20]  }
0x148: {  	vm7 =	vgt.s32 v34, $0x0;
	vm8 =	vgt.s32 v36, $0x0;
	vm9 =	vgt.s32 v37, $0x0;
	[tilespmem:v22+s17+$0x0] =	vst.idx.add.f32.msk $0xffff, v23  }
0x149: {  	v22 =	vnsel vm3, $0x0, v27;
	v27 =	vnsel vm4, $0x0, v30;
	v30 =	vnsel vm5, $0x0, v38  }
0x14a: {  	v32 =	vnsel vm6, $0x0, v32;
	v34 =	vnsel vm7, $0x0, v34;
	v35 =	vnsel vm8, $0x0, v36  }
0x14b: {  	vm4 =	vlt.f32 v31, $1.600000000e+01;
	vm3 =	vge.f32 v24, $0.0e+00;
	v31 =	vnsel vm9, $0x0, v37  }
0x14c: {  	vm14 =	vlt.f32 v24, $1.600000000e+01;
	vm15 =	vlt.f32 v28, $1.600000000e+01;
	vm9 =	vge.f32 v28, $0.0e+00  }
.Ltmp10:
0x14d: {  	vm10 =	vlt.f32 v33, $1.600000000e+01;
	vm6 =	vge.f32 v33, $0.0e+00;
	vm5 =	vge.f32 v26, $0.0e+00;
	(pc) =	sbr.rel @p0 .LBB2_15-.Ltmp10, $4  }
0x14e: {  	vm11 =	vlt.f32 v26, $1.600000000e+01;
	vm12 =	vlt.f32 v29, $1.600000000e+01;
	vm7 =	vge.f32 v29, $0.0e+00  }
0x14f: {  	vm13 =	vlt.f32 v25, $1.600000000e+01;
	vm8 =	vge.f32 v25, $0.0e+00;
	v23 =	vmin.u32 v22, $0xF  }
0x150: {  	s29 =	sadd.s32 $0x80, s29;
	v26 =	vmin.u32 v32, $0xF;
	v28 =	vmin.u32 v27, $0xF;
	v27 =	vmin.u32 v30, $0xF  }
0x151: {  	s1 =	sadd.s32 $0x80, s1;
	v29 =	vmin.u32 v34, $0xF;
	v25 =	vmin.u32 v35, $0xF;
	v22 =	vmin.u32 v31, $0xF;
	v24 =	vld [tilespmem:s29+$0x0]  }
0x152: {  	v23 =	vor.u32 v1, v23  }
0x153: {  	v28 =	vor.u32 v1, v28  }
0x154: {  	v27 =	vor.u32 v1, v27  }
0x155: {  	vm2 =	vmand vm2, vm4;
	v26 =	vor.u32 v1, v26  }
0x156: {  	vm3 =	vmand vm3, vm14;
	v29 =	vor.u32 v1, v29;
	v24 =	vnsel vm2, $0x0, v24  }
0x157: {  	v25 =	vor.u32 v1, v25;
	v16 =	vnsel vm3, $0x0, v16;
	vm2 =	vmand vm9, vm15;
	[tilespmem:v23+s17+$0x0] =	vst.idx.add.f32.msk $0xffff, v24  }
0x158: {  	v22 =	vor.u32 v1, v22;
	vm3 =	vmand vm6, vm10;
	v17 =	vnsel vm2, $0x0, v17;
	[tilespmem:v28+s17+$0x0] =	vst.idx.add.f32.msk $0xffff, v16  }
0x159: {  	vm2 =	vmand vm5, vm11;
	v16 =	vnsel vm3, $0x0, v18;
	[tilespmem:v27+s17+$0x0] =	vst.idx.add.f32.msk $0xffff, v17  }
0x15a: {  	vm3 =	vmand vm7, vm12;
	v17 =	vnsel vm2, $0x0, v19;
	[tilespmem:v26+s17+$0x0] =	vst.idx.add.f32.msk $0xffff, v16  }
0x15b: {  	vm2 =	vmand vm8, vm13;
	v16 =	vnsel vm3, $0x0, v20;
	[tilespmem:v29+s17+$0x0] =	vst.idx.add.f32.msk $0xffff, v17  }
0x15c: {  	v17 =	vnsel vm2, $0x0, v21;
	[tilespmem:v25+s17+$0x0] =	vst.idx.add.f32.msk $0xffff, v16  }
0x15d: {  	[tilespmem:v22+s17+$0x0] =	vst.idx.add.f32.msk $0xffff, v17  }
0x15e: {  	v16 =	vld [tilespmem:$0x10800];
	_ =	sdelay $0x4  }
0x15f: {  	v15 =	vsub.f32 v16, v15;
	_ =	sdelay $0x1  }
0x160: {  	v15 =	vmul.f32 $3.200000000e+01, v15;
	_ =	sdelay $0x1  }
0x161: {  	v16 =	vtrunc.f32 v15  }
0x162: {  	v16 =	vcvt.f32.s32 v16;
	_ =	sdelay $0x1  }
0x163: {  	vm2 =	vgt.s32 v16, $0x0  }
0x164: {  	v16 =	vnsel vm2, $0x0, v16  }
0x165: {  	v17 =	vld [tilespmem:s30+$0x9D00];
	v16 =	vmin.u32 v16, $0xF  }
0x166: {  	v16 =	vor.u32 v1, v16;
	_ =	sdelay $0x1  }
0x167: {  	vm3 =	vlt.f32 v15, $1.600000000e+01;
	vm2 =	vge.f32 v15, $0.0e+00  }
0x168: {  	vm2 =	vmand vm2, vm3  }
0x169: {  	v15 =	vnsel vm2, $0x0, v17  }
0x16a: {  	[tilespmem:v16+s17+$0x0] =	vst.idx.add.f32.msk $0xffff, v15  }
0x16b: {  	v15 =	vld [tilespmem:$0x10880]  }
0x16c: {  	v16 =	vld [tilespmem:$0x10900];
	_ =	sdelay $0x1  }
0x16d: {  	v17 =	vld [tilespmem:$0x10980];
	_ =	sdelay $0x1  }
0x16e: {  	v18 =	vld [tilespmem:$0x10A00]  }
0x16f: {  	v15 =	vadd.f32 v16, v15  }
0x170: {  	v16 =	vld [tilespmem:$0x10A80]  }
0x171: {  	v15 =	vadd.f32 v17, v15  }
0x172: {  	v17 =	vld [tilespmem:$0x10B00]  }
0x173: {  	v15 =	vadd.f32 v18, v15  }
0x174: {  	v18 =	vld [tilespmem:$0x10B80]  }
0x175: {  	v15 =	vadd.f32 v16, v15  }
0x176: {  	v16 =	vld [tilespmem:$0x10C00]  }
0x177: {  	v15 =	vadd.f32 v17, v15  }
0x178: {  	v17 =	vld [tilespmem:$0x10C80]  }
0x179: {  	v15 =	vadd.f32 v18, v15  }
0x17a: {  	v18 =	vld [tilespmem:$0x10D00]  }
0x17b: {  	v15 =	vadd.f32 v16, v15  }
0x17c: {  	v14 =	vnsel vm1, $0x0, v14;
	v16 =	vld [tilespmem:$0x10D80]  }
0x17d: {  	(xrf0) =	vmax.scan.msk.f32 $0xffff, v14;
	v14 =	vadd.f32 v17, v15  }
0x17e: {  	v15 =	vld [tilespmem:$0x10E00]  }
0x17f: {  	v14 =	vadd.f32 v18, v14  }
0x180: {  	v17 =	vld [tilespmem:$0x10E80]  }
0x181: {  	v14 =	vadd.f32 v16, v14  }
0x182: {  	v16 =	vld [tilespmem:$0x10F00]  }
0x183: {  	v18, _, _ =	vpop (xrf0);
	v14 =	vadd.f32 v15, v14  }
0x184: {  	(v2sf) =	vpush v18, $0xF;
	v15 =	vld [tilespmem:$0x10F80]  }
0x185: {  	v14 =	vadd.f32 v17, v14  }
0x186: {  	v17 =	vld [tilespmem:$0x11000]  }
0x187: {  	v14 =	vadd.f32 v16, v14;
	_ =	sdelay $0x1  }
0x188: {  	v14 =	vadd.f32 v15, v14;
	_ =	sdelay $0x1  }
0x189: {  	v14 =	vadd.f32 v17, v14;
	_ =	sdelay $0x1  }
0x18a: {  	(xrf2) =	vadd.scan.msk.f32 $0xffff, v14;
	_ =	sdelay $0x5  }
0x18b: {  	s0 =	spop (v2sf)  }
0x18c: {  	s0 =	sadd.f32 $0.0e+00, s0;
	_ =	sdelay $0x1  }
0x18d: {  	s1 =	ssub.f32 s26, s0  }
0x18e: {  	v14, _, _ =	vpop (xrf2)  }
0x18f: {  	vm1 =	vlt.f32 v14, s1  }
0x190: {  	v15 =	vsel vm1, $0x3F800000, v2  }
0x191: {  	(xrf2) =	vadd.scan.msk.f32 $0xffff, v15;
	_ =	sdelay $0x9  }
0x192: {  	v15, _, _ =	vpop (xrf2)  }
0x193: {  	[tilespmem:$0x10880] =	vst v2;
	(v2sf) =	vpush v15, $0xF  }
0x194: {  	[tilespmem:$0x10900] =	vst v2  }
0x195: {  	[tilespmem:$0x10980] =	vst v2  }
0x196: {  	[tilespmem:$0x10A00] =	vst v2  }
0x197: {  	[tilespmem:$0x10A80] =	vst v2  }
0x198: {  	[tilespmem:$0x10B00] =	vst v2  }
0x199: {  	[tilespmem:$0x10B80] =	vst v2  }
0x19a: {  	[tilespmem:$0x10C00] =	vst v2  }
0x19b: {  	[tilespmem:$0x10C80] =	vst v2  }
0x19c: {  	[tilespmem:$0x10D00] =	vst v2  }
0x19d: {  	[tilespmem:$0x10D80] =	vst v2  }
0x19e: {  	[tilespmem:$0x10E00] =	vst v2  }
0x19f: {  	[tilespmem:$0x10E80] =	vst v2  }
0x1a0: {  	[tilespmem:$0x10F00] =	vst v2  }
0x1a1: {  	[tilespmem:$0x10F80] =	vst v2  }
0x1a2: {  	s28 =	simm.s32 $0xF4C0;
	[tilespmem:$0x11000] =	vst v2;
	s13 =	spop (v2sf)  }
0x1a3: {  	v15 =	vld [tilespmem:s28+$0x30];
	s13 =	smul.f32 $3.125000000e-02, s13  }
0x1a4: {  	v17 =	vld [tilespmem:s28+$0xFFFFFFC0]  }
0x1a5: {  	v18 =	vld [tilespmem:s28+$0xFFFFFFD0];
	s5 =	sadd.f32 s13, s5  }
0x1a6: {  	v19 =	vld [tilespmem:s28+$0xFFFFFFE0]  }
0x1a7: {  	v20 =	vld [tilespmem:s28+$0xFFFFFFF0];
	v16 =	vmov s5  }
0x1a8: {  	v21 =	vld [tilespmem:s28+$0x0];
	v15 =	vsub.f32 v15, v16  }
0x1a9: {  	v22 =	vld [tilespmem:s28+$0x10];
	v17 =	vsub.f32 v17, v16  }
0x1aa: {  	v18 =	vsub.f32 v18, v16;
	v24 =	vmul.f32 $5.120000000e+02, v15  }
0x1ab: {  	v15 =	vmov s1;
	v25 =	vmul.f32 $5.120000000e+02, v17;
	v17 =	vsub.f32 v19, v16  }
0x1ac: {  	v23 =	vld [tilespmem:s28+$0x20];
	v26 =	vmul.f32 $5.120000000e+02, v18;
	v18 =	vsub.f32 v20, v16;
	v19 =	vtrunc.f32 v24  }
0x1ad: {  	v20 =	vmul.f32 $5.120000000e+02, v17;
	v17 =	vsub.f32 v21, v16;
	v21 =	vtrunc.f32 v25  }
0x1ae: {  	v27 =	vmul.f32 $5.120000000e+02, v18;
	v18 =	vsub.f32 v22, v16;
	vm2 =	vge.f32 v24, $0.0e+00  }
0x1af: {  	vm3 =	vlt.f32 v24, $1.600000000e+01;
	vm13 =	vlt.f32 v26, $1.600000000e+01;
	v19 =	vcvt.f32.s32 v19  }
0x1b0: {  	v21 =	vcvt.f32.s32 v21;
	vm2 =	vmand vm2, vm3;
	v22 =	vmul.f32 $5.120000000e+02, v17  }
0x1b1: {  	v17 =	vsub.f32 v23, v16;
	v23 =	vtrunc.f32 v26;
	v28 =	vmul.f32 $5.120000000e+02, v18  }
0x1b2: {  	v30 =	vtrunc.f32 v27;
	vm14 =	vlt.f32 v20, $1.600000000e+01;
	vm9 =	vlt.f32 v27, $1.600000000e+01  }
0x1b3: {  	vm1 =	vgt.s32 v19, $0x0;
	v23 =	vcvt.f32.s32 v23;
	v24 =	vcvt.f32.s32 v30  }
0x1b4: {  	v18 =	vnsel vm1, $0x0, v19;
	v19 =	vtrunc.f32 v20;
	v29 =	vmul.f32 $5.120000000e+02, v17  }
0x1b5: {  	v31 =	vtrunc.f32 v22;
	vm1 =	vge.f32 v25, $0.0e+00;
	vm10 =	vlt.f32 v22, $1.600000000e+01  }
0x1b6: {  	vm11 =	vlt.f32 v28, $1.600000000e+01;
	v18 =	vmin.u32 v18, $0xF;
	v19 =	vcvt.f32.s32 v19  }
0x1b7: {  	v30 =	vcvt.f32.s32 v31;
	vm3 =	vgt.s32 v23, $0x0;
	vm5 =	vgt.s32 v24, $0x0  }
0x1b8: {  	v17 =	vld [tilespmem:s14+$0x30];
	v32 =	vor.u32 v1, v18;
	v18 =	vtrunc.f32 v28;
	v33 =	vtrunc.f32 v29  }
0x1b9: {  	v23 =	vnsel vm3, $0x0, v23;
	v36 =	vnsel vm5, $0x0, v24;
	vm3 =	vlt.f32 v25, $1.600000000e+01  }
0x1ba: {  	vm5 =	vge.f32 v27, $0.0e+00;
	vm12 =	vlt.f32 v29, $1.600000000e+01;
	v18 =	vcvt.f32.s32 v18  }
0x1bb: {  	v25 =	vld [tilespmem:s15+$0x0];
	v33 =	vcvt.f32.s32 v33;
	vm4 =	vgt.s32 v19, $0x0;
	vm6 =	vgt.s32 v30, $0x0  }
0x1bc: {  	v27 =	vmin.u32 v36, $0xF;
	v35 =	vnsel vm4, $0x0, v19;
	v30 =	vnsel vm6, $0x0, v30;
	v19 =	vld [tilespmem:s14+$0xFFFFFFF0]  }
0x1bd: {  	vm4 =	vge.f32 v22, $0.0e+00;
	vm6 =	vge.f32 v28, $0.0e+00;
	v22 =	vld [tilespmem:s14+$0x20];
	v31 =	vnsel vm2, $0x0, v17  }
0x1be: {  	vm2 =	vgt.s32 v21, $0x0;
	vm7 =	vgt.s32 v18, $0x0;
	vm8 =	vgt.s32 v33, $0x0;
	v17 =	vld [tilespmem:s14+$0xFFFFFFD0]  }
0x1bf: {  	v28 =	vmin.u32 v35, $0xF;
	v30 =	vmin.u32 v30, $0xF;
	v37 =	vnsel vm7, $0x0, v18;
	v18 =	vld [tilespmem:s14+$0xFFFFFFE0]  }
0x1c0: {  	v34 =	vnsel vm2, $0x0, v21;
	v33 =	vnsel vm8, $0x0, v33;
	vm8 =	vge.f32 v20, $0.0e+00;
	v20 =	vld [tilespmem:s14+$0x0]  }
0x1c1: {  	s29 =	smov.u32 s14;
	vm2 =	vge.f32 v26, $0.0e+00;
	v21 =	vld [tilespmem:s14+$0x10];
	vm7 =	vge.f32 v29, $0.0e+00;
	v29 =	vmin.u32 v23, $0xF  }
0x1c2: {  	s28 =	smov.u32 s15;
	s13 =	simm.s32 $0xF540;
	s1 =	simm.s32 $0x0;
	[tilespmem:v32+s17+$0x0] =	vst.idx.add.f32.msk $0xffff, v31;
	v24 =	vmin.u32 v34, $0xF;
	v26 =	vmin.u32 v37, $0xF;
	v23 =	vmin.u32 v33, $0xF  }
.LBB2_17:
0x1c3: {  	v31 =	vld [tilespmem:s13+$0x30];
	s1 =	sadd.s32 $0x8, s1;
	vm1 =	vmand vm1, vm3;
	vm2 =	vmand vm2, vm13;
	vm3 =	vmand vm8, vm14  }
0x1c4: {  	vm5 =	vmand vm5, vm9;
	vm4 =	vmand vm4, vm10;
	vm6 =	vmand vm6, vm11;
	v32 =	vld [tilespmem:s13+$0xFFFFFFC0];
	p0 =	slt.u32 s1, $0x130  }
0x1c5: {  	v24 =	vor.u32 v1, v24;
	v29 =	vor.u32 v1, v29;
	vm7 =	vmand vm7, vm12;
	v33 =	vld [tilespmem:s13+$0xFFFFFFD0]  }
0x1c6: {  	v28 =	vor.u32 v1, v28;
	v27 =	vor.u32 v1, v27;
	v30 =	vor.u32 v1, v30;
	v34 =	vld [tilespmem:s13+$0xFFFFFFE0]  }
0x1c7: {  	v26 =	vor.u32 v1, v26;
	v23 =	vor.u32 v1, v23;
	v35 =	vld [tilespmem:s13+$0xFFFFFFF0];
	v25 =	vnsel vm1, $0x0, v25  }
0x1c8: {  	v17 =	vnsel vm2, $0x0, v17;
	v18 =	vnsel vm3, $0x0, v18;
	v36 =	vld [tilespmem:s13+$0x0];
	v31 =	vsub.f32 v31, v16  }
0x1c9: {  	v19 =	vnsel vm5, $0x0, v19;
	v20 =	vnsel vm4, $0x0, v20;
	v32 =	vsub.f32 v32, v16;
	v37 =	vld [tilespmem:s13+$0x10]  }
0x1ca: {  	v21 =	vnsel vm6, $0x0, v21;
	v33 =	vsub.f32 v33, v16;
	v38 =	vld [tilespmem:s13+$0x20];
	v31 =	vmul.f32 $5.120000000e+02, v31  }
0x1cb: {  	v32 =	vmul.f32 $5.120000000e+02, v32;
	v34 =	vsub.f32 v34, v16;
	[tilespmem:v24+s17+$0x0] =	vst.idx.add.f32.msk $0xffff, v25;
	v24 =	vnsel vm7, $0x0, v22  }
0x1cc: {  	v25 =	vmul.f32 $5.120000000e+02, v33;
	v22 =	vsub.f32 v35, v16;
	v33 =	vtrunc.f32 v31;
	[tilespmem:v29+s17+$0x0] =	vst.idx.add.f32.msk $0xffff, v17  }
0x1cd: {  	v29 =	vmul.f32 $5.120000000e+02, v34;
	v17 =	vsub.f32 v36, v16;
	v33 =	vcvt.f32.s32 v33;
	[tilespmem:v28+s17+$0x0] =	vst.idx.add.f32.msk $0xffff, v18  }
0x1ce: {  	v28 =	vtrunc.f32 v32;
	v34 =	vmul.f32 $5.120000000e+02, v22;
	v18 =	vsub.f32 v37, v16;
	[tilespmem:v27+s17+$0x0] =	vst.idx.add.f32.msk $0xffff, v19  }
0x1cf: {  	v27 =	vmul.f32 $5.120000000e+02, v17;
	v17 =	vsub.f32 v38, v16;
	vm1 =	vgt.s32 v33, $0x0;
	[tilespmem:v30+s17+$0x0] =	vst.idx.add.f32.msk $0xffff, v20  }
0x1d0: {  	s29 =	sadd.s32 $0x80, s29;
	v20 =	vtrunc.f32 v25;
	v30 =	vmul.f32 $5.120000000e+02, v18;
	v18 =	vnsel vm1, $0x0, v33;
	[tilespmem:v26+s17+$0x0] =	vst.idx.add.f32.msk $0xffff, v21  }
0x1d1: {  	v21 =	vtrunc.f32 v29;
	v26 =	vmul.f32 $5.120000000e+02, v17;
	v22 =	vld [tilespmem:s29+$0x30];
	v18 =	vmin.u32 v18, $0xF  }
0x1d2: {  	v33 =	vtrunc.f32 v34;
	v35 =	vtrunc.f32 v27;
	v17 =	vld [tilespmem:s29+$0xFFFFFFD0];
	v36 =	vor.u32 v1, v18  }
0x1d3: {  	vm1 =	vge.f32 v32, $0.0e+00;
	v37 =	vtrunc.f32 v30;
	v18 =	vld [tilespmem:s29+$0xFFFFFFE0];
	v38 =	vtrunc.f32 v26  }
0x1d4: {  	vm2 =	vge.f32 v31, $0.0e+00;
	vm3 =	vlt.f32 v31, $1.600000000e+01;
	v28 =	vcvt.f32.s32 v28;
	v19 =	vld [tilespmem:s29+$0xFFFFFFF0]  }
0x1d5: {  	vm2 =	vmand vm2, vm3;
	v31 =	vcvt.f32.s32 v20;
	v39 =	vcvt.f32.s32 v21;
	v20 =	vld [tilespmem:s29+$0x0]  }
0x1d6: {  	v33 =	vcvt.f32.s32 v33;
	v35 =	vcvt.f32.s32 v35;
	v21 =	vld [tilespmem:s29+$0x10];
	v22 =	vnsel vm2, $0x0, v22  }
0x1d7: {  	v37 =	vcvt.f32.s32 v37;
	v38 =	vcvt.f32.s32 v38;
	vm2 =	vgt.s32 v28, $0x0;
	[tilespmem:v36+s17+$0x0] =	vst.idx.add.f32.msk $0xffff, v22  }
0x1d8: {  	vm3 =	vgt.s32 v31, $0x0;
	vm4 =	vgt.s32 v39, $0x0;
	vm5 =	vgt.s32 v33, $0x0;
	v22 =	vld [tilespmem:s29+$0x20]  }
0x1d9: {  	vm6 =	vgt.s32 v35, $0x0;
	vm7 =	vgt.s32 v37, $0x0;
	vm8 =	vgt.s32 v38, $0x0;
	[tilespmem:v23+s17+$0x0] =	vst.idx.add.f32.msk $0xffff, v24  }
0x1da: {  	v23 =	vnsel vm2, $0x0, v28;
	v28 =	vnsel vm3, $0x0, v31;
	v31 =	vnsel vm4, $0x0, v39  }
0x1db: {  	v33 =	vnsel vm5, $0x0, v33;
	v35 =	vnsel vm6, $0x0, v35;
	v36 =	vnsel vm7, $0x0, v37  }
0x1dc: {  	vm3 =	vlt.f32 v32, $1.600000000e+01;
	vm2 =	vge.f32 v25, $0.0e+00;
	v32 =	vnsel vm8, $0x0, v38  }
0x1dd: {  	vm13 =	vlt.f32 v25, $1.600000000e+01;
	vm14 =	vlt.f32 v29, $1.600000000e+01;
	vm8 =	vge.f32 v29, $0.0e+00  }
.Ltmp11:
0x1de: {  	vm9 =	vlt.f32 v34, $1.600000000e+01;
	vm5 =	vge.f32 v34, $0.0e+00;
	vm4 =	vge.f32 v27, $0.0e+00;
	(pc) =	sbr.rel @p0 .LBB2_17-.Ltmp11, $4  }
0x1df: {  	vm10 =	vlt.f32 v27, $1.600000000e+01;
	vm11 =	vlt.f32 v30, $1.600000000e+01;
	vm6 =	vge.f32 v30, $0.0e+00  }
0x1e0: {  	vm12 =	vlt.f32 v26, $1.600000000e+01;
	vm7 =	vge.f32 v26, $0.0e+00;
	v24 =	vmin.u32 v23, $0xF  }
0x1e1: {  	s28 =	sadd.s32 $0x80, s28;
	v27 =	vmin.u32 v33, $0xF;
	v29 =	vmin.u32 v28, $0xF;
	v28 =	vmin.u32 v31, $0xF  }
0x1e2: {  	s13 =	sadd.s32 $0x80, s13;
	v30 =	vmin.u32 v35, $0xF;
	v26 =	vmin.u32 v36, $0xF;
	v23 =	vmin.u32 v32, $0xF;
	v25 =	vld [tilespmem:s28+$0x0]  }
0x1e3: {  	v24 =	vor.u32 v1, v24  }
0x1e4: {  	v29 =	vor.u32 v1, v29  }
0x1e5: {  	v28 =	vor.u32 v1, v28  }
0x1e6: {  	vm1 =	vmand vm1, vm3;
	v27 =	vor.u32 v1, v27  }
0x1e7: {  	vm2 =	vmand vm2, vm13;
	v30 =	vor.u32 v1, v30;
	v25 =	vnsel vm1, $0x0, v25  }
0x1e8: {  	v26 =	vor.u32 v1, v26;
	v17 =	vnsel vm2, $0x0, v17;
	vm1 =	vmand vm8, vm14;
	[tilespmem:v24+s17+$0x0] =	vst.idx.add.f32.msk $0xffff, v25  }
0x1e9: {  	v23 =	vor.u32 v1, v23;
	vm2 =	vmand vm5, vm9;
	v18 =	vnsel vm1, $0x0, v18;
	[tilespmem:v29+s17+$0x0] =	vst.idx.add.f32.msk $0xffff, v17  }
0x1ea: {  	vm1 =	vmand vm4, vm10;
	v17 =	vnsel vm2, $0x0, v19;
	[tilespmem:v28+s17+$0x0] =	vst.idx.add.f32.msk $0xffff, v18  }
0x1eb: {  	vm2 =	vmand vm6, vm11;
	v18 =	vnsel vm1, $0x0, v20;
	[tilespmem:v27+s17+$0x0] =	vst.idx.add.f32.msk $0xffff, v17  }
0x1ec: {  	vm1 =	vmand vm7, vm12;
	v17 =	vnsel vm2, $0x0, v21;
	[tilespmem:v30+s17+$0x0] =	vst.idx.add.f32.msk $0xffff, v18  }
0x1ed: {  	v18 =	vnsel vm1, $0x0, v22;
	[tilespmem:v26+s17+$0x0] =	vst.idx.add.f32.msk $0xffff, v17  }
0x1ee: {  	[tilespmem:v23+s17+$0x0] =	vst.idx.add.f32.msk $0xffff, v18  }
0x1ef: {  	v17 =	vld [tilespmem:$0x10800];
	_ =	sdelay $0x4  }
0x1f0: {  	v16 =	vsub.f32 v17, v16;
	_ =	sdelay $0x1  }
0x1f1: {  	v16 =	vmul.f32 $5.120000000e+02, v16;
	_ =	sdelay $0x1  }
0x1f2: {  	v17 =	vtrunc.f32 v16  }
0x1f3: {  	v17 =	vcvt.f32.s32 v17;
	_ =	sdelay $0x1  }
0x1f4: {  	vm1 =	vgt.s32 v17, $0x0  }
0x1f5: {  	v17 =	vnsel vm1, $0x0, v17  }
0x1f6: {  	v18 =	vld [tilespmem:s30+$0x9D00];
	v17 =	vmin.u32 v17, $0xF  }
0x1f7: {  	v17 =	vor.u32 v1, v17;
	_ =	sdelay $0x1  }
0x1f8: {  	vm2 =	vlt.f32 v16, $1.600000000e+01;
	vm1 =	vge.f32 v16, $0.0e+00  }
0x1f9: {  	vm1 =	vmand vm1, vm2  }
0x1fa: {  	v16 =	vnsel vm1, $0x0, v18  }
0x1fb: {  	[tilespmem:v17+s17+$0x0] =	vst.idx.add.f32.msk $0xffff, v16  }
0x1fc: {  	v16 =	vld [tilespmem:$0x10880]  }
0x1fd: {  	v17 =	vld [tilespmem:$0x10900];
	_ =	sdelay $0x1  }
0x1fe: {  	v18 =	vld [tilespmem:$0x10980];
	_ =	sdelay $0x1  }
0x1ff: {  	v19 =	vld [tilespmem:$0x10A00]  }
0x200: {  	v16 =	vadd.f32 v17, v16  }
0x201: {  	v17 =	vld [tilespmem:$0x10A80]  }
0x202: {  	v16 =	vadd.f32 v18, v16  }
0x203: {  	v18 =	vld [tilespmem:$0x10B00]  }
0x204: {  	v16 =	vadd.f32 v19, v16  }
0x205: {  	v19 =	vld [tilespmem:$0x10B80]  }
0x206: {  	v16 =	vadd.f32 v17, v16  }
0x207: {  	v17 =	vld [tilespmem:$0x10C00]  }
0x208: {  	v16 =	vadd.f32 v18, v16  }
0x209: {  	v18 =	vld [tilespmem:$0x10C80]  }
0x20a: {  	v16 =	vadd.f32 v19, v16  }
0x20b: {  	v19 =	vld [tilespmem:$0x10D00]  }
0x20c: {  	vm1 =	vlt.f32 v14, v15;
	v15 =	vadd.f32 v17, v16  }
0x20d: {  	v14 =	vnsel vm1, $0x0, v14;
	v16 =	vld [tilespmem:$0x10D80]  }
0x20e: {  	(xrf0) =	vmax.scan.msk.f32 $0xffff, v14;
	v14 =	vadd.f32 v18, v15  }
0x20f: {  	v15 =	vld [tilespmem:$0x10E00]  }
0x210: {  	v14 =	vadd.f32 v19, v14  }
0x211: {  	v17 =	vld [tilespmem:$0x10E80]  }
0x212: {  	v14 =	vadd.f32 v16, v14  }
0x213: {  	v16 =	vld [tilespmem:$0x10F00]  }
0x214: {  	v18, _, _ =	vpop (xrf0);
	v14 =	vadd.f32 v15, v14  }
0x215: {  	(v2sf) =	vpush v18, $0xF;
	v15 =	vld [tilespmem:$0x10F80]  }
0x216: {  	v14 =	vadd.f32 v17, v14  }
0x217: {  	v17 =	vld [tilespmem:$0x11000]  }
0x218: {  	v14 =	vadd.f32 v16, v14;
	_ =	sdelay $0x1  }
0x219: {  	v14 =	vadd.f32 v15, v14;
	_ =	sdelay $0x1  }
0x21a: {  	v15 =	vadd.f32 v17, v14;
	_ =	sdelay $0x1  }
0x21b: {  	(xrf2) =	vadd.scan.msk.f32 $0xffff, v15;
	_ =	sdelay $0x5  }
0x21c: {  	s1 =	spop (v2sf)  }
0x21d: {  	s0 =	sadd.f32 s1, s0;
	_ =	sdelay $0x1  }
0x21e: {  	s28 =	ssub.f32 s26, s0  }
0x21f: {  	v16, _, _ =	vpop (xrf2)  }
0x220: {  	v14 =	vimm.f32 $0.0e+00;
	vm1 =	vlt.f32 v16, s28  }
0x221: {  	v17 =	vsel vm1, $0x3F800000, v14  }
0x222: {  	(xrf2) =	vadd.scan.msk.f32 $0xffff, v17;
	_ =	sdelay $0x9  }
0x223: {  	v17, _, _ =	vpop (xrf2)  }
0x224: {  	(v2sf) =	vpush v17, $0xF;
	_ =	sdelay $0x2  }
0x225: {  	[tilespmem:$0x10880] =	vst v14  }
0x226: {  	[tilespmem:$0x10900] =	vst v14  }
0x227: {  	[tilespmem:$0x10980] =	vst v14  }
0x228: {  	[tilespmem:$0x10A00] =	vst v14  }
0x229: {  	[tilespmem:$0x10A80] =	vst v14  }
0x22a: {  	[tilespmem:$0x10B00] =	vst v14  }
0x22b: {  	[tilespmem:$0x10B80] =	vst v14  }
0x22c: {  	[tilespmem:$0x10C00] =	vst v14  }
0x22d: {  	[tilespmem:$0x10C80] =	vst v14  }
0x22e: {  	[tilespmem:$0x10D00] =	vst v14  }
0x22f: {  	[tilespmem:$0x10D80] =	vst v14  }
0x230: {  	[tilespmem:$0x10E00] =	vst v14  }
0x231: {  	[tilespmem:$0x10E80] =	vst v14;
	s13 =	spop (v2sf)  }
0x232: {  	[tilespmem:$0x10F00] =	vst v14;
	s29 =	smul.f32 $1.953125000e-03, s13  }
0x233: {  	[tilespmem:$0x10F80] =	vst v14  }
0x234: {  	[tilespmem:$0x11000] =	vst v14;
	s1 =	sadd.f32 s29, s5;
	s29 =	simm.s32 $0x0  }
0x235: {  	v20 =	vld.idx.msk [tilespmem:v13+s29+$0x0 ss:$0x1], $0xffff  }
0x236: {  	v21 =	vld [tilespmem:s29+$0xF480];
	s5 =	sadd.f32 $1.953125000e-03, s1  }
0x237: {  	v22 =	vmov s28  }
0x238: {  	v17 =	vimm.f32 $0.0e+00;
	v18 =	vmov s1;
	v19 =	vmov s5;
	s5 =	simm.s32 $0x40  }
.LBB2_19:
0x239: {  	p0 =	sne.s32 s5, $0x4E00  }
.Ltmp12:
0x23a: {  	s28 =	sshra.s32 s5, $0x2;
	s5 =	sadd.s32 $0x40, s5;
	(pc) =	sbr.rel @p0 .LBB2_19-.Ltmp12, $4  }
0x23b: {  	v23 =	vmul.f32 v21, v20;
	v20 =	vld.idx.msk [tilespmem:v13+s28+$0x0 ss:$0x1], $0xffff;
	vm1 =	vge.f32 v21, v18;
	vm2 =	vlt.f32 v21, v19  }
0x23c: {  	vm3 =	vlt.f32 v21, v18;
	v21 =	vld [tilespmem:s28+$0xF480];
	vm1 =	vmand vm1, vm2  }
0x23d: {  	v24 =	vnsel vm3, $0x0, v23;
	v23 =	vnsel vm1, $0x0, v23  }
0x23e: {  	v14 =	vadd.f32 v24, v14;
	v17 =	vadd.f32 v23, v17  }
0x23f: {  	s5 =	scvt.f32.s32 s13;
	_ =	sdelay $0x1  }
0x240: {  	v23 =	vmov s5  }
0x241: {  	vm1 =	veq.s32 v23, v0  }
0x242: {  	v15 =	vnsel vm1, $0x0, v15  }
0x243: {  	(xrf2) =	vadd.scan.msk.f32 $0xffff, v15  }
0x244: {  	vm14 =	vlt.f32 v16, v22  }
0x245: {  	v15 =	vnsel vm14, $0x0, v16  }
0x246: {  	(xrf0) =	vmax.scan.msk.f32 $0xffff, v15;
	_ =	sdelay $0x5  }
0x247: {  	v15, _, _ =	vpop (xrf0)  }
0x248: {  	(v2sf) =	vpush v15, $0xF;
	v15, _, _ =	vpop (xrf2)  }
0x249: {  	(v2sf) =	vpush v15, $0xF;
	_ =	sdelay $0xb  }
0x24a: {  	v15 =	vmul.f32 v21, v20  }
0x24b: {  	vm15 =	vge.f32 v21, v18;
	vm2 =	vlt.f32 v21, v19;
	vm3 =	vlt.f32 v21, v18  }
0x24c: {  	vm1 =	vmand vm15, vm2;
	v63 =	vnsel vm3, $0x0, v15;
	s5 =	spop (v2sf)  }
0x24d: {  	v15 =	vnsel vm1, $0x0, v15;
	v14 =	vadd.f32 v63, v14;
	s13 =	spop (v2sf)  }
0x24e: {  	v15 =	vadd.f32 v15, v17;
	s28 =	smax.f32 s13, $9.999999680e-21  }
0x24f: {  	(xrf2) =	vadd.scan.msk.f32 $0xffff, v14;
	s29 =	ssub.s32 $0x7EF311C3, s28  }
0x250: {  	(xrf2) =	vadd.scan.msk.f32 $0xffff, v15;
	s16 =	smul.f32 s29, s28;
	_ =	sdelay $0x1  }
0x251: {  	s16 =	ssub.f32 $2.000000000e+00, s16;
	_ =	sdelay $0x1  }
0x252: {  	s16 =	smul.f32 s29, s16;
	_ =	sdelay $0x1  }
0x253: {  	s29 =	smul.f32 s16, s28;
	_ =	sdelay $0x1  }
0x254: {  	s29 =	ssub.f32 $2.000000000e+00, s29  }
0x255: {  	v14, _, _ =	vpop (xrf2)  }
0x256: {  	(v2sf) =	vpush v14, $0xF;
	v14, _, _ =	vpop (xrf2);
	s16 =	smul.f32 s29, s16  }
0x257: {  	(v2sf) =	vpush v14, $0xF  }
0x258: {  	s28 =	smul.f32 s16, s28  }
0x259: {  	s0 =	sadd.f32 s5, s0  }
0x25a: {  	s5 =	ssub.f32 $2.000000000e+00, s28  }
0x25b: {  	s29 =	ssub.f32 s26, s0  }
0x25c: {  	s5 =	smul.f32 s5, s16  }
0x25d: {  	s29 =	smax.f32 s29, $0.0e+00  }
0x25e: {  	s5 =	smul.f32 s5, s29;
	_ =	sdelay $0x1  }
0x25f: {  	s5 =	smin.f32 s5, $1.000000000e+00  }
0x260: {  	s28 =	smul.f32 $1.953125000e-03, s5  }
0x261: {  	s13 =	smul.f32 s5, s13  }
0x262: {  	s1 =	sadd.f32 s28, s1  }
0x263: {  	s0 =	sadd.f32 s13, s0  }
0x264: {  	s13 =	spop (v2sf);
	s16 =	smul.f32 s1, s26  }
0x265: {  	s29 =	spop (v2sf);
	s0 =	smul.f32 s0, s1  }
0x266: {  	s31 =	sadd.s32 $0x1, s31;
	s29 =	smul.f32 s29, s5  }
0x267: {  	p0 =	sne.s32 s31, $0x10;
	s0 =	ssub.f32 s16, s0  }
.Ltmp13:
0x268: {  	s1 =	sadd.f32 s29, s13;
	(pc) =	sbr.rel @p0 .LBB2_12-.Ltmp13, $3  }
0x269: {  	_ = 	snop  }
0x26a: {  	s0 =	sadd.f32 s1, s0;
	_ =	sdelay $0x1  }
0x26b: {  	v3 =	vsel vm0, s0, v3  }
0x26c: {  	v4 =	vmul.f32 v3, v4;
	_ =	sdelay $0x1  }
0x26d: {  	v5 =	vshra.s32 v4, $0x1;
	v4 =	vmul.f32 $5.000000000e-01, v4  }
0x26e: {  	v5 =	vsub.s32 $0x5F3759DF, v5  }
0x26f: {  	v6 =	vmul.f32 v5, v4;
	_ =	sdelay $0x1  }
0x270: {  	v6 =	vmul.f32 v5, v6;
	_ =	sdelay $0x1  }
0x271: {  	v6 =	vsub.f32 $1.500000000e+00, v6;
	_ =	sdelay $0x1  }
0x272: {  	v5 =	vmul.f32 v5, v6;
	_ =	sdelay $0x1  }
0x273: {  	v6 =	vmul.f32 v5, v4;
	_ =	sdelay $0x1  }
0x274: {  	v6 =	vmul.f32 v6, v5;
	_ =	sdelay $0x1  }
0x275: {  	v6 =	vsub.f32 $1.500000000e+00, v6;
	_ =	sdelay $0x1  }
0x276: {  	v5 =	vmul.f32 v6, v5;
	_ =	sdelay $0x1  }
0x277: {  	v4 =	vmul.f32 v5, v4;
	_ =	sdelay $0x1  }
0x278: {  	v4 =	vmul.f32 v4, v5;
	_ =	sdelay $0x1  }
0x279: {  	v4 =	vsub.f32 $1.500000000e+00, v4;
	_ =	sdelay $0x1  }
0x27a: {  	v4 =	vmul.f32 v4, v5;
	_ =	sdelay $0x1  }
0x27b: {  	v3 =	vmul.f32 v4, v3  }
0x27c: {  	s0 =	sshll.u32 s25, $0x1  }
.Ltmp14:
0x27d: {  	s0 =	sadd.s32 s9, s0;
	[tilespmem:$0x11080] =	vst v3;
	(pc) =	sbr.rel .LBB2_22-.Ltmp14, $4  }
0x27e: {  	[hbm4b:s0+s2] =	stream.linear.scatter [tilespmem:s18], [sflag:$0x1], $0x10, $0x38;
	[tilespmem:$0x11100] =	vst v63  }
0x27f: {  	_ =	swait.ge [sflag:s12], $0x10  }
0x280: {  	[sflag:s12] =	ssyncset.done $0x0  }
0x281: {  	[sflag:s12] =	ssyncadd.s32 $0xFFFFFFF0  }
.LBB2_24:
0x282: {  	_ =	sfence.sel $0x180000  }
0x283: {  	[bflag:$0x0] =	sbarrier.arrive $0xFFFF  }
0x284: {  	_ =	strace $0x90000047  }
0x285: {  	s0 =	stileid.u32;
	[bflag:$0x2] =	sbarrier.arrive $0xFFFF  }
0x286: {  	p0 =	sne.s32 s0, $0x0;
	s0 =	rddreg [dreg:$0x2]  }
0x287: {  	s0 =	sadd.s32 @!p0 $0x100000, s0  }
0x288: {  	[sflag:s0] =	ssyncadd.tile.s32 @!p0 $0x1;
	_ =	shalt  }
.Lfunc_end2:
_tile_overlayer_lowered:
.L_overlay_start_2:
0x289: {  	(tag) =	ssettag $0x2  }
0x28a: {  	s0 =	rddreg [dreg:$0x0];
	s2 =	stileid.u32  }
0x28b: {  	s1 =	rddreg [dreg:$0x1];
	p0 =	sne.s32 s2, $0x0  }
0x28c: {  	s3 =	rddreg [dreg:$0x2];
	[bflag:$0x3] =	sbarrier.arrive $0xFFFF;
	s2 =	simm.s32 @!p0 $0x1C01  }
0x28d: {  	[timem:s3], [sflag:s2] =	dma.local @!p0 [hbm:s0], s1  }
0x28e: {  	s0 =	simm.s32 @!p0 $0x1  }
0x28f: {  	_ =	swait.ge @!p0 [sflag:s0], s1  }
0x290: {  	s1 =	ssub.s32 @!p0 $0x0, s1;
	[sflag:s0] =	ssyncset.done @!p0 $0x0  }
0x291: {  	[sflag:s0] =	ssyncadd.s32 @!p0 s1  }
0x292: {  	[bflag:$0x3] =	sbarrier.arrive $0xFFFF  }
0x293: {  	_ =	shalt  }

</sc_bundles>
